<compile_context>
chip_gen: v7x
topology: tpu7x:2x2x1
jax: 0.10.2.dev20260603
libtpu: 0.0.44.dev20260713+nightly
codegen_flags: <defaults>
</compile_context>

<pallas_src>
import functools

import jax
import jax.numpy as jnp
from jax import lax
from jax.experimental import pallas as pl
from jax.experimental.pallas import tpu as pltpu
from jax.experimental.pallas import tpu_sc as plsc

NUM_CORES = 2
NUM_SUBCORES = 16
LANES = 16
NW = NUM_CORES * NUM_SUBCORES

B = 16384
L = 200
DIM = 16
VOCAB_SIZE = 1000000

EPW = B // NW
G = 16
GROUPS = EPW // G
ROWS_G = G * L
CHUNK = 3200
NCHUNK = ROWS_G // CHUNK

EW_BLK = 4096

_MAGIC = 12582912.0


def _ew_body(emb_ref, w_ref, out_ref):
    out_ref[...] = jnp.sum(emb_ref[...] * w_ref[...], axis=0)


_tc_ew = pl.pallas_call(
    _ew_body,
    out_shape=jax.ShapeDtypeStruct((VOCAB_SIZE,), jnp.float32),
    grid=(pl.cdiv(VOCAB_SIZE, EW_BLK),),
    in_specs=[
        pl.BlockSpec((DIM, EW_BLK), lambda i: (0, i)),
        pl.BlockSpec((DIM, 1), lambda i: (0, 0)),
    ],
    out_specs=pl.BlockSpec((EW_BLK,), lambda i: (i,)),
)


def _sc_body(xt_hbm, ew_hbm, b_hbm, out_hbm,
             slab_v, idx0, idx1, val0, val1, b_v, out_v, ew_sh,
             gsem0, gsem1, ssem):
    c = lax.axis_index("c")
    s = lax.axis_index("s")
    wid = c * NUM_SUBCORES + s
    base = wid * EPW

    @pl.when(s == 0)
    def _():
        pltpu.sync_copy(ew_hbm, ew_sh)
    pltpu.sync_copy(b_hbm, b_v)
    bvec = b_v[...]
    plsc.subcore_barrier()

    def slab_start(g):
        pltpu.async_copy(xt_hbm.at[:, pl.ds(base + g * G, G)], slab_v, ssem)

    def slab_wait():
        pltpu.make_async_copy(xt_hbm.at[:, pl.ds(0, G)], slab_v, ssem).wait()

    def repack(idx_v):
        def body(r, carry):
            rb = r * 8
            for k in range(8):
                idx_v[pl.ds((rb + k) * LANES, LANES)] = slab_v[rb + k]
            return carry
        lax.fori_loop(0, L // 8, body, 0)

    def fire(idx_v, val_v, gsem):
        for k in range(NCHUNK):
            pltpu.async_copy(
                ew_sh.at[idx_v.at[pl.ds(k * CHUNK, CHUNK)]],
                val_v.at[pl.ds(k * CHUNK, CHUNK)], gsem)

    def drain(idx_v, val_v, gsem):
        for k in range(NCHUNK):
            pltpu.make_async_copy(
                ew_sh.at[idx_v.at[pl.ds(k * CHUNK, CHUNK)]],
                val_v.at[pl.ds(k * CHUNK, CHUNK)], gsem).wait()

    def compute(g, val_v):
        def body(i, accs):
            a0, a1, a2, a3 = accs
            rb = i * (8 * LANES)
            a0 = a0 + val_v[pl.ds(rb, LANES)]
            a1 = a1 + val_v[pl.ds(rb + LANES, LANES)]
            a2 = a2 + val_v[pl.ds(rb + 2 * LANES, LANES)]
            a3 = a3 + val_v[pl.ds(rb + 3 * LANES, LANES)]
            a0 = a0 + val_v[pl.ds(rb + 4 * LANES, LANES)]
            a1 = a1 + val_v[pl.ds(rb + 5 * LANES, LANES)]
            a2 = a2 + val_v[pl.ds(rb + 6 * LANES, LANES)]
            a3 = a3 + val_v[pl.ds(rb + 7 * LANES, LANES)]
            return (a0, a1, a2, a3)

        z16 = jnp.zeros((LANES,), jnp.float32)
        a0, a1, a2, a3 = lax.fori_loop(0, L // 8, body,
                                       (z16, z16, z16, z16))
        z = ((a0 + a1) + (a2 + a3)) * (1.0 / L) + bvec
        p = 1.0 / (1.0 + jnp.exp(-z))
        r = p * 10000.0
        r = (r + _MAGIC) - _MAGIC
        out_v[pl.ds(g * G, G)] = r / 10000.0

    pltpu.sync_copy(xt_hbm.at[:, pl.ds(base, G)], slab_v)
    repack(idx0)
    fire(idx0, val0, gsem0)
    slab_start(1)

    def pipe_body(i, carry):
        a = 2 * i
        slab_wait()
        repack(idx1)
        fire(idx1, val1, gsem1)
        slab_start(a + 2)
        drain(idx0, val0, gsem0)
        compute(a, val0)
        slab_wait()
        repack(idx0)
        fire(idx0, val0, gsem0)
        slab_start(a + 3)
        drain(idx1, val1, gsem1)
        compute(a + 1, val1)
        return carry

    lax.fori_loop(0, GROUPS // 2 - 1, pipe_body, 0)

    slab_wait()
    repack(idx1)
    fire(idx1, val1, gsem1)
    drain(idx0, val0, gsem0)
    compute(GROUPS - 2, val0)
    drain(idx1, val1, gsem1)
    compute(GROUPS - 1, val1)

    pltpu.sync_copy(out_v, out_hbm.at[pl.ds(base, EPW)])


@functools.partial(
    pl.kernel,
    out_type=jax.ShapeDtypeStruct((B,), jnp.float32),
    mesh=plsc.VectorSubcoreMesh(core_axis_name="c", subcore_axis_name="s",
                                num_cores=NUM_CORES,
                                num_subcores=NUM_SUBCORES),
    scratch_types=[
        pltpu.VMEM((L, G), jnp.int32),
        pltpu.VMEM((ROWS_G,), jnp.int32),
        pltpu.VMEM((ROWS_G,), jnp.int32),
        pltpu.VMEM((ROWS_G,), jnp.float32),
        pltpu.VMEM((ROWS_G,), jnp.float32),
        pltpu.VMEM((LANES,), jnp.float32),
        pltpu.VMEM((EPW,), jnp.float32),
        pltpu.VMEM_SHARED((VOCAB_SIZE,), jnp.float32),
        pltpu.SemaphoreType.DMA,
        pltpu.SemaphoreType.DMA,
        pltpu.SemaphoreType.DMA,
    ],
    compiler_params=pltpu.CompilerParams(use_tc_tiling_on_sc=False),
)
def _sc_kernel(xt_hbm, ew_hbm, b_hbm, out_hbm,
               slab_v, idx0, idx1, val0, val1, b_v, out_v, ew_sh,
               gsem0, gsem1, ssem):
    _sc_body(xt_hbm, ew_hbm, b_hbm, out_hbm,
             slab_v, idx0, idx1, val0, val1, b_v, out_v, ew_sh,
             gsem0, gsem1, ssem)


@jax.jit
def kernel(x, embed, W, b):
    emb_t = embed.T
    ew = _tc_ew(emb_t, W.astype(jnp.float32))
    xt = x.T.astype(jnp.int32)
    b16 = jnp.broadcast_to(b, (LANES,)).astype(jnp.float32)
    y = _sc_kernel(xt, ew, b16)
    return y.reshape(B, 1)

# --- scband reference (transcript-rebuilt; emitter-appended) ---
"""Pipeline reference for scband-solution-51230369907016 (READ-ONLY COPY).

The authoritative reference and input builder live on the scoring server;
editing this copy changes nothing except your own understanding.
"""

import jax, jax.numpy as jnp
import numpy as np

VOCAB = 1000000
DIM = 16
B = 16384
L = 200


def setup_inputs(seed: int = 0) -> dict:
    key = jax.random.key(seed)
    k1, k2, k3, k4 = jax.random.split(key, 4)
    x = jax.random.randint(k1, (B, L), 0, VOCAB)
    embed = jax.random.normal(k2, (VOCAB, DIM), dtype=jnp.float32)
    W = jax.random.normal(k3, (DIM, 1), dtype=jnp.float32) * 0.1
    b = jnp.zeros((1,), dtype=jnp.float32)
    return {"x": x, "embed": embed, "W": W, "b": b}


def reference(x, embed, W, b):
    # embedding lookup: gather rows of the table
    e = jnp.take(embed, x, axis=0)          # [B, L, 16]
    m = jnp.mean(e, axis=1)                 # [B, 16]  (torch.mean(..., 1))
    y = m @ W + b                           # [B, 1]   (nn.Linear(16, 1))
    y = jax.nn.sigmoid(y)
    return jnp.round(y, 4)                  # torch.round(x, decimals=4)

if __name__ == "__main__":
    import jax
    _d = setup_inputs()
    print(jax.jit(kernel)(*tuple(_d.values())))

</pallas_src>

<mosaic_0001>
#map = affine_map<(d0, d1) -> (0, 0)>
#map1 = affine_map<(d0, d1) -> (0)>
module attributes {stable_mosaic.version = 14 : i64} {
  func.func @_sc_kernel(%arg0: i32, %arg1: i32, %arg2: memref<200x16384xi32, #tpu.memory_space<hbm>>, %arg3: memref<1000000xf32, #tpu.memory_space<hbm>>, %arg4: memref<16xf32, #tpu.memory_space<hbm>>, %arg5: memref<16384xf32, #tpu.memory_space<hbm>>, %arg6: memref<200x16xi32, #tpu.memory_space<vmem>>, %arg7: memref<3200xi32, #tpu.memory_space<vmem>>, %arg8: memref<3200xi32, #tpu.memory_space<vmem>>, %arg9: memref<3200xf32, #tpu.memory_space<vmem>>, %arg10: memref<3200xf32, #tpu.memory_space<vmem>>, %arg11: memref<16xf32, #tpu.memory_space<vmem>>, %arg12: memref<512xf32, #tpu.memory_space<vmem>>, %arg13: memref<1000000xf32, #tpu.memory_space<vmem_shared>>, %arg14: memref<!tpu.dma_semaphore, #tpu.memory_space<semaphore_mem>>, %arg15: memref<!tpu.dma_semaphore, #tpu.memory_space<semaphore_mem>>, %arg16: memref<!tpu.dma_semaphore, #tpu.memory_space<semaphore_mem>>) attributes {dimension_semantics = [#tpu.dimension_semantics<core_parallel>, #tpu.dimension_semantics<subcore_parallel>], iteration_bounds = array<i64: 2, 16>, scalar_prefetch = 0 : i64, scratch_operands = 11 : i64, tpu.core_type = #tpu.core_type<sc_vector_subcore>, window_params = [{transform_indices = #map}, {transform_indices = #map1}, {transform_indices = #map1}, {transform_indices = #map1}]} {
    %mul3A = arith.constant 16 : i32
    %mul3A_0 = arith.muli %arg0, %mul3A : i32
    %add3A = arith.addi %mul3A_0, %arg1 : i32
    %mul3A_1 = arith.constant 512 : i32
    %mul3A_2 = arith.muli %add3A, %mul3A_1 : i32
    %eq3A = arith.constant 0 : i32
    %eq3A_3 = arith.cmpi eq, %arg1, %eq3A : i32
    %convert_element_type3A = arith.extui %eq3A_3 : i1 to i32
    %cond3A = arith.constant 0 : i32
    %cond3A_4 = arith.cmpi ne, %convert_element_type3A, %cond3A : i32
    scf.if %cond3A_4 {
      "tpu.region"() ({
        %run_scoped3A = tpu.sem_alloc : memref<!tpu.dma_semaphore, #tpu.memory_space<semaphore_mem>>
        tpu.enqueue_dma source(%arg3 : memref<1000000xf32, #tpu.memory_space<hbm>>) target(%arg13 : memref<1000000xf32, #tpu.memory_space<vmem_shared>>) target_semaphore(%run_scoped3A : memref<!tpu.dma_semaphore, #tpu.memory_space<semaphore_mem>>)
        tpu.wait_dma2 semaphore(%run_scoped3A : memref<!tpu.dma_semaphore, #tpu.memory_space<semaphore_mem>>) src(%arg3 : memref<1000000xf32, #tpu.memory_space<hbm>>) dst(%arg13 : memref<1000000xf32, #tpu.memory_space<vmem_shared>>)
        tpu.yield
      }) : () -> ()
    } else {
    }
    "tpu.region"() ({
      %run_scoped3A = tpu.sem_alloc : memref<!tpu.dma_semaphore, #tpu.memory_space<semaphore_mem>>
      tpu.enqueue_dma source(%arg4 : memref<16xf32, #tpu.memory_space<hbm>>) target(%arg11 : memref<16xf32, #tpu.memory_space<vmem>>) target_semaphore(%run_scoped3A : memref<!tpu.dma_semaphore, #tpu.memory_space<semaphore_mem>>)
      tpu.wait_dma2 semaphore(%run_scoped3A : memref<!tpu.dma_semaphore, #tpu.memory_space<semaphore_mem>>) src(%arg4 : memref<16xf32, #tpu.memory_space<hbm>>) dst(%arg11 : memref<16xf32, #tpu.memory_space<vmem>>)
      tpu.yield
    }) : () -> ()
    %get3A = arith.constant 0 : index
    %get3A_5 = tpu.vector_load %arg11[%get3A] {strides = array<i32>} : memref<16xf32, #tpu.memory_space<vmem>>, vector<16xf32>,
    %get3A_6 = vector.shape_cast %get3A_5 : vector<16xf32> to vector<16xf32>
    %barrier3A = arith.constant 0 : index
    tpu.barrier barrier_id(%barrier3A)
    "tpu.region"() ({
      %run_scoped3A = tpu.sem_alloc : memref<!tpu.dma_semaphore, #tpu.memory_space<semaphore_mem>>
      %dma_start3A_134 = arith.constant 0 : i32
      %dma_start3A_135 = tpu.memref_slice %arg2[%dma_start3A_134, %mul3A_2] : memref<200x16384xi32, #tpu.memory_space<hbm>> -> memref<200x16xi32, #tpu.memory_space<hbm>>
      %dma_start3A_136 = arith.constant 0 : i32
      %dma_start3A_137 = tpu.memref_slice %arg2[%dma_start3A_136, %mul3A_2] : memref<200x16384xi32, #tpu.memory_space<hbm>> -> memref<200x16xi32, #tpu.memory_space<hbm>>
      tpu.enqueue_dma source(%dma_start3A_137 : memref<200x16xi32, #tpu.memory_space<hbm>>) target(%arg6 : memref<200x16xi32, #tpu.memory_space<vmem>>) target_semaphore(%run_scoped3A : memref<!tpu.dma_semaphore, #tpu.memory_space<semaphore_mem>>)
      %dma_wait3A_138 = arith.constant 0 : i32
      %dma_wait3A_139 = tpu.memref_slice %arg2[%dma_wait3A_138, %mul3A_2] : memref<200x16384xi32, #tpu.memory_space<hbm>> -> memref<200x16xi32, #tpu.memory_space<hbm>>
      %dma_wait3A_140 = arith.constant 0 : i32
      %dma_wait3A_141 = tpu.memref_slice %arg2[%dma_wait3A_140, %mul3A_2] : memref<200x16384xi32, #tpu.memory_space<hbm>> -> memref<200x16xi32, #tpu.memory_space<hbm>>
      tpu.wait_dma2 semaphore(%run_scoped3A : memref<!tpu.dma_semaphore, #tpu.memory_space<semaphore_mem>>) src(%dma_wait3A_141 : memref<200x16xi32, #tpu.memory_space<hbm>>) dst(%arg6 : memref<200x16xi32, #tpu.memory_space<vmem>>)
      tpu.yield
    }) : () -> ()
    %scan3A = arith.constant 0 : i32
    %scan3A_7 = arith.constant 0 : i32
    %scan3A_8 = arith.constant 25 : i32
    %scan3A_9 = arith.addi %scan3A_7, %scan3A_8 : i32
    %scan3A_10 = arith.constant 1 : i32
    scf.for %scan3A_134 = %scan3A_7 to %scan3A_9 step %scan3A_10  : i32 {
      %mul3A_135 = arith.constant 8 : i32
      %mul3A_136 = arith.muli %scan3A_134, %mul3A_135 : i32
      %add3A_137 = arith.constant 0 : i32
      %add3A_138 = arith.addi %mul3A_136, %add3A_137 : i32
      %get3A_139 = arith.index_cast %add3A_138 : i32 to index
      %get3A_140 = arith.constant 0 : index
      %get3A_141 = tpu.vector_load %arg6[%get3A_139, %get3A_140] {strides = array<i32>} : memref<200x16xi32, #tpu.memory_space<vmem>>, vector<1x16xi32>,
      %get3A_142 = vector.shape_cast %get3A_141 : vector<1x16xi32> to vector<16xi32>
      %add3A_143 = arith.constant 0 : i32
      %add3A_144 = arith.addi %mul3A_136, %add3A_143 : i32
      %mul3A_145 = arith.constant 16 : i32
      %mul3A_146 = arith.muli %add3A_144, %mul3A_145 : i32
      %swap3A_147 = arith.index_cast %mul3A_146 : i32 to index
      %swap3A_148 = tpu.vector_load %arg7[%swap3A_147] {strides = array<i32>} : memref<3200xi32, #tpu.memory_space<vmem>>, vector<16xi32>,
      %swap3A_149 = vector.shape_cast %swap3A_148 : vector<16xi32> to vector<16xi32>
      %swap3A_150 = vector.shape_cast %get3A_142 : vector<16xi32> to vector<16xi32>
      tpu.vector_store %arg7[%swap3A_147], %swap3A_150 {strides = array<i32>} : memref<3200xi32, #tpu.memory_space<vmem>>, vector<16xi32>,
      %add3A_151 = arith.constant 1 : i32
      %add3A_152 = arith.addi %mul3A_136, %add3A_151 : i32
      %get3A_153 = arith.index_cast %add3A_152 : i32 to index
      %get3A_154 = arith.constant 0 : index
      %get3A_155 = tpu.vector_load %arg6[%get3A_153, %get3A_154] {strides = array<i32>} : memref<200x16xi32, #tpu.memory_space<vmem>>, vector<1x16xi32>,
      %get3A_156 = vector.shape_cast %get3A_155 : vector<1x16xi32> to vector<16xi32>
      %add3A_157 = arith.constant 1 : i32
      %add3A_158 = arith.addi %mul3A_136, %add3A_157 : i32
      %mul3A_159 = arith.constant 16 : i32
      %mul3A_160 = arith.muli %add3A_158, %mul3A_159 : i32
      %swap3A_161 = arith.index_cast %mul3A_160 : i32 to index
      %swap3A_162 = tpu.vector_load %arg7[%swap3A_161] {strides = array<i32>} : memref<3200xi32, #tpu.memory_space<vmem>>, vector<16xi32>,
      %swap3A_163 = vector.shape_cast %swap3A_162 : vector<16xi32> to vector<16xi32>
      %swap3A_164 = vector.shape_cast %get3A_156 : vector<16xi32> to vector<16xi32>
      tpu.vector_store %arg7[%swap3A_161], %swap3A_164 {strides = array<i32>} : memref<3200xi32, #tpu.memory_space<vmem>>, vector<16xi32>,
      %add3A_165 = arith.constant 2 : i32
      %add3A_166 = arith.addi %mul3A_136, %add3A_165 : i32
      %get3A_167 = arith.index_cast %add3A_166 : i32 to index
      %get3A_168 = arith.constant 0 : index
      %get3A_169 = tpu.vector_load %arg6[%get3A_167, %get3A_168] {strides = array<i32>} : memref<200x16xi32, #tpu.memory_space<vmem>>, vector<1x16xi32>,
      %get3A_170 = vector.shape_cast %get3A_169 : vector<1x16xi32> to vector<16xi32>
      %add3A_171 = arith.constant 2 : i32
      %add3A_172 = arith.addi %mul3A_136, %add3A_171 : i32
      %mul3A_173 = arith.constant 16 : i32
      %mul3A_174 = arith.muli %add3A_172, %mul3A_173 : i32
      %swap3A_175 = arith.index_cast %mul3A_174 : i32 to index
      %swap3A_176 = tpu.vector_load %arg7[%swap3A_175] {strides = array<i32>} : memref<3200xi32, #tpu.memory_space<vmem>>, vector<16xi32>,
      %swap3A_177 = vector.shape_cast %swap3A_176 : vector<16xi32> to vector<16xi32>
      %swap3A_178 = vector.shape_cast %get3A_170 : vector<16xi32> to vector<16xi32>
      tpu.vector_store %arg7[%swap3A_175], %swap3A_178 {strides = array<i32>} : memref<3200xi32, #tpu.memory_space<vmem>>, vector<16xi32>,
      %add3A_179 = arith.constant 3 : i32
      %add3A_180 = arith.addi %mul3A_136, %add3A_179 : i32
      %get3A_181 = arith.index_cast %add3A_180 : i32 to index
      %get3A_182 = arith.constant 0 : index
      %get3A_183 = tpu.vector_load %arg6[%get3A_181, %get3A_182] {strides = array<i32>} : memref<200x16xi32, #tpu.memory_space<vmem>>, vector<1x16xi32>,
      %get3A_184 = vector.shape_cast %get3A_183 : vector<1x16xi32> to vector<16xi32>
      %add3A_185 = arith.constant 3 : i32
      %add3A_186 = arith.addi %mul3A_136, %add3A_185 : i32
      %mul3A_187 = arith.constant 16 : i32
      %mul3A_188 = arith.muli %add3A_186, %mul3A_187 : i32
      %swap3A_189 = arith.index_cast %mul3A_188 : i32 to index
      %swap3A_190 = tpu.vector_load %arg7[%swap3A_189] {strides = array<i32>} : memref<3200xi32, #tpu.memory_space<vmem>>, vector<16xi32>,
      %swap3A_191 = vector.shape_cast %swap3A_190 : vector<16xi32> to vector<16xi32>
      %swap3A_192 = vector.shape_cast %get3A_184 : vector<16xi32> to vector<16xi32>
      tpu.vector_store %arg7[%swap3A_189], %swap3A_192 {strides = array<i32>} : memref<3200xi32, #tpu.memory_space<vmem>>, vector<16xi32>,
      %add3A_193 = arith.constant 4 : i32
      %add3A_194 = arith.addi %mul3A_136, %add3A_193 : i32
      %get3A_195 = arith.index_cast %add3A_194 : i32 to index
      %get3A_196 = arith.constant 0 : index
      %get3A_197 = tpu.vector_load %arg6[%get3A_195, %get3A_196] {strides = array<i32>} : memref<200x16xi32, #tpu.memory_space<vmem>>, vector<1x16xi32>,
      %get3A_198 = vector.shape_cast %get3A_197 : vector<1x16xi32> to vector<16xi32>
      %add3A_199 = arith.constant 4 : i32
      %add3A_200 = arith.addi %mul3A_136, %add3A_199 : i32
      %mul3A_201 = arith.constant 16 : i32
      %mul3A_202 = arith.muli %add3A_200, %mul3A_201 : i32
      %swap3A_203 = arith.index_cast %mul3A_202 : i32 to index
      %swap3A_204 = tpu.vector_load %arg7[%swap3A_203] {strides = array<i32>} : memref<3200xi32, #tpu.memory_space<vmem>>, vector<16xi32>,
      %swap3A_205 = vector.shape_cast %swap3A_204 : vector<16xi32> to vector<16xi32>
      %swap3A_206 = vector.shape_cast %get3A_198 : vector<16xi32> to vector<16xi32>
      tpu.vector_store %arg7[%swap3A_203], %swap3A_206 {strides = array<i32>} : memref<3200xi32, #tpu.memory_space<vmem>>, vector<16xi32>,
      %add3A_207 = arith.constant 5 : i32
      %add3A_208 = arith.addi %mul3A_136, %add3A_207 : i32
      %get3A_209 = arith.index_cast %add3A_208 : i32 to index
      %get3A_210 = arith.constant 0 : index
      %get3A_211 = tpu.vector_load %arg6[%get3A_209, %get3A_210] {strides = array<i32>} : memref<200x16xi32, #tpu.memory_space<vmem>>, vector<1x16xi32>,
      %get3A_212 = vector.shape_cast %get3A_211 : vector<1x16xi32> to vector<16xi32>
      %add3A_213 = arith.constant 5 : i32
      %add3A_214 = arith.addi %mul3A_136, %add3A_213 : i32
      %mul3A_215 = arith.constant 16 : i32
      %mul3A_216 = arith.muli %add3A_214, %mul3A_215 : i32
      %swap3A_217 = arith.index_cast %mul3A_216 : i32 to index
      %swap3A_218 = tpu.vector_load %arg7[%swap3A_217] {strides = array<i32>} : memref<3200xi32, #tpu.memory_space<vmem>>, vector<16xi32>,
      %swap3A_219 = vector.shape_cast %swap3A_218 : vector<16xi32> to vector<16xi32>
      %swap3A_220 = vector.shape_cast %get3A_212 : vector<16xi32> to vector<16xi32>
      tpu.vector_store %arg7[%swap3A_217], %swap3A_220 {strides = array<i32>} : memref<3200xi32, #tpu.memory_space<vmem>>, vector<16xi32>,
      %add3A_221 = arith.constant 6 : i32
      %add3A_222 = arith.addi %mul3A_136, %add3A_221 : i32
      %get3A_223 = arith.index_cast %add3A_222 : i32 to index
      %get3A_224 = arith.constant 0 : index
      %get3A_225 = tpu.vector_load %arg6[%get3A_223, %get3A_224] {strides = array<i32>} : memref<200x16xi32, #tpu.memory_space<vmem>>, vector<1x16xi32>,
      %get3A_226 = vector.shape_cast %get3A_225 : vector<1x16xi32> to vector<16xi32>
      %add3A_227 = arith.constant 6 : i32
      %add3A_228 = arith.addi %mul3A_136, %add3A_227 : i32
      %mul3A_229 = arith.constant 16 : i32
      %mul3A_230 = arith.muli %add3A_228, %mul3A_229 : i32
      %swap3A_231 = arith.index_cast %mul3A_230 : i32 to index
      %swap3A_232 = tpu.vector_load %arg7[%swap3A_231] {strides = array<i32>} : memref<3200xi32, #tpu.memory_space<vmem>>, vector<16xi32>,
      %swap3A_233 = vector.shape_cast %swap3A_232 : vector<16xi32> to vector<16xi32>
      %swap3A_234 = vector.shape_cast %get3A_226 : vector<16xi32> to vector<16xi32>
      tpu.vector_store %arg7[%swap3A_231], %swap3A_234 {strides = array<i32>} : memref<3200xi32, #tpu.memory_space<vmem>>, vector<16xi32>,
      %add3A_235 = arith.constant 7 : i32
      %add3A_236 = arith.addi %mul3A_136, %add3A_235 : i32
      %get3A_237 = arith.index_cast %add3A_236 : i32 to index
      %get3A_238 = arith.constant 0 : index
      %get3A_239 = tpu.vector_load %arg6[%get3A_237, %get3A_238] {strides = array<i32>} : memref<200x16xi32, #tpu.memory_space<vmem>>, vector<1x16xi32>,
      %get3A_240 = vector.shape_cast %get3A_239 : vector<1x16xi32> to vector<16xi32>
      %add3A_241 = arith.constant 7 : i32
      %add3A_242 = arith.addi %mul3A_136, %add3A_241 : i32
      %mul3A_243 = arith.constant 16 : i32
      %mul3A_244 = arith.muli %add3A_242, %mul3A_243 : i32
      %swap3A_245 = arith.index_cast %mul3A_244 : i32 to index
      %swap3A_246 = tpu.vector_load %arg7[%swap3A_245] {strides = array<i32>} : memref<3200xi32, #tpu.memory_space<vmem>>, vector<16xi32>,
      %swap3A_247 = vector.shape_cast %swap3A_246 : vector<16xi32> to vector<16xi32>
      %swap3A_248 = vector.shape_cast %get3A_240 : vector<16xi32> to vector<16xi32>
      tpu.vector_store %arg7[%swap3A_245], %swap3A_248 {strides = array<i32>} : memref<3200xi32, #tpu.memory_space<vmem>>, vector<16xi32>,
    }
    %scan3A_11 = arith.constant 25 : i32
    %dma_start3A = arith.constant 0 : i32
    %dma_start3A_12 = tpu.memref_slice %arg9[%dma_start3A] : memref<3200xf32, #tpu.memory_space<vmem>> -> memref<3200xf32, #tpu.memory_space<vmem>>
    %dma_start3A_13 = arith.constant 0 : i32
    %dma_start3A_14 = tpu.memref_slice %arg7[%dma_start3A_13] : memref<3200xi32, #tpu.memory_space<vmem>> -> memref<3200xi32, #tpu.memory_space<vmem>>
    %dma_start3A_15 = arith.constant 0 : i32
    %dma_start3A_16 = tpu.memref_slice %arg13[%dma_start3A_15] : memref<1000000xf32, #tpu.memory_space<vmem_shared>> -> memref<1000000xf32, #tpu.memory_space<vmem_shared>>
    tpu.enqueue_indirect_dma source(%dma_start3A_16 : memref<1000000xf32, #tpu.memory_space<vmem_shared>>) target(%dma_start3A_12 : memref<3200xf32, #tpu.memory_space<vmem>>) offsets(%dma_start3A_14 : memref<3200xi32, #tpu.memory_space<vmem>>) semaphore(%arg14 : memref<!tpu.dma_semaphore, #tpu.memory_space<semaphore_mem>>)
    %add3A_17 = arith.constant 16 : i32
    %add3A_18 = arith.addi %mul3A_2, %add3A_17 : i32
    %dma_start3A_19 = arith.constant 0 : i32
    %dma_start3A_20 = tpu.memref_slice %arg2[%dma_start3A_19, %add3A_18] : memref<200x16384xi32, #tpu.memory_space<hbm>> -> memref<200x16xi32, #tpu.memory_space<hbm>>
    %dma_start3A_21 = arith.constant 0 : i32
    %dma_start3A_22 = tpu.memref_slice %arg2[%dma_start3A_21, %add3A_18] : memref<200x16384xi32, #tpu.memory_space<hbm>> -> memref<200x16xi32, #tpu.memory_space<hbm>>
    tpu.enqueue_dma source(%dma_start3A_22 : memref<200x16xi32, #tpu.memory_space<hbm>>) target(%arg6 : memref<200x16xi32, #tpu.memory_space<vmem>>) target_semaphore(%arg16 : memref<!tpu.dma_semaphore, #tpu.memory_space<semaphore_mem>>)
    %scan3A_23 = arith.constant 0 : i32
    %scan3A_24 = arith.constant 0 : i32
    %scan3A_25 = arith.constant 15 : i32
    %scan3A_26 = arith.addi %scan3A_24, %scan3A_25 : i32
    %scan3A_27 = arith.constant 1 : i32
    scf.for %scan3A_134 = %scan3A_24 to %scan3A_26 step %scan3A_27  : i32 {
      %mul3A_135 = arith.constant 2 : i32
      %mul3A_136 = arith.muli %mul3A_135, %scan3A_134 : i32
      %dma_wait3A_137 = arith.constant 0 : i32
      %dma_wait3A_138 = arith.constant 0 : i32
      %dma_wait3A_139 = tpu.memref_slice %arg2[%dma_wait3A_137, %dma_wait3A_138] : memref<200x16384xi32, #tpu.memory_space<hbm>> -> memref<200x16xi32, #tpu.memory_space<hbm>>
      %dma_wait3A_140 = arith.constant 0 : i32
      %dma_wait3A_141 = arith.constant 0 : i32
      %dma_wait3A_142 = tpu.memref_slice %arg2[%dma_wait3A_140, %dma_wait3A_141] : memref<200x16384xi32, #tpu.memory_space<hbm>> -> memref<200x16xi32, #tpu.memory_space<hbm>>
      tpu.wait_dma2 semaphore(%arg16 : memref<!tpu.dma_semaphore, #tpu.memory_space<semaphore_mem>>) src(%dma_wait3A_142 : memref<200x16xi32, #tpu.memory_space<hbm>>) dst(%arg6 : memref<200x16xi32, #tpu.memory_space<vmem>>)
      %scan3A_143 = arith.constant 0 : i32
      %scan3A_144 = arith.constant 0 : i32
      %scan3A_145 = arith.constant 25 : i32
      %scan3A_146 = arith.addi %scan3A_144, %scan3A_145 : i32
      %scan3A_147 = arith.constant 1 : i32
      scf.for %scan3A_291 = %scan3A_144 to %scan3A_146 step %scan3A_147  : i32 {
        %mul3A_292 = arith.constant 8 : i32
        %mul3A_293 = arith.muli %scan3A_291, %mul3A_292 : i32
        %add3A_294 = arith.constant 0 : i32
        %add3A_295 = arith.addi %mul3A_293, %add3A_294 : i32
        %get3A_296 = arith.index_cast %add3A_295 : i32 to index
        %get3A_297 = arith.constant 0 : index
        %get3A_298 = tpu.vector_load %arg6[%get3A_296, %get3A_297] {strides = array<i32>} : memref<200x16xi32, #tpu.memory_space<vmem>>, vector<1x16xi32>,
        %get3A_299 = vector.shape_cast %get3A_298 : vector<1x16xi32> to vector<16xi32>
        %add3A_300 = arith.constant 0 : i32
        %add3A_301 = arith.addi %mul3A_293, %add3A_300 : i32
        %mul3A_302 = arith.constant 16 : i32
        %mul3A_303 = arith.muli %add3A_301, %mul3A_302 : i32
        %swap3A_304 = arith.index_cast %mul3A_303 : i32 to index
        %swap3A_305 = tpu.vector_load %arg8[%swap3A_304] {strides = array<i32>} : memref<3200xi32, #tpu.memory_space<vmem>>, vector<16xi32>,
        %swap3A_306 = vector.shape_cast %swap3A_305 : vector<16xi32> to vector<16xi32>
        %swap3A_307 = vector.shape_cast %get3A_299 : vector<16xi32> to vector<16xi32>
        tpu.vector_store %arg8[%swap3A_304], %swap3A_307 {strides = array<i32>} : memref<3200xi32, #tpu.memory_space<vmem>>, vector<16xi32>,
        %add3A_308 = arith.constant 1 : i32
        %add3A_309 = arith.addi %mul3A_293, %add3A_308 : i32
        %get3A_310 = arith.index_cast %add3A_309 : i32 to index
        %get3A_311 = arith.constant 0 : index
        %get3A_312 = tpu.vector_load %arg6[%get3A_310, %get3A_311] {strides = array<i32>} : memref<200x16xi32, #tpu.memory_space<vmem>>, vector<1x16xi32>,
        %get3A_313 = vector.shape_cast %get3A_312 : vector<1x16xi32> to vector<16xi32>
        %add3A_314 = arith.constant 1 : i32
        %add3A_315 = arith.addi %mul3A_293, %add3A_314 : i32
        %mul3A_316 = arith.constant 16 : i32
        %mul3A_317 = arith.muli %add3A_315, %mul3A_316 : i32
        %swap3A_318 = arith.index_cast %mul3A_317 : i32 to index
        %swap3A_319 = tpu.vector_load %arg8[%swap3A_318] {strides = array<i32>} : memref<3200xi32, #tpu.memory_space<vmem>>, vector<16xi32>,
        %swap3A_320 = vector.shape_cast %swap3A_319 : vector<16xi32> to vector<16xi32>
        %swap3A_321 = vector.shape_cast %get3A_313 : vector<16xi32> to vector<16xi32>
        tpu.vector_store %arg8[%swap3A_318], %swap3A_321 {strides = array<i32>} : memref<3200xi32, #tpu.memory_space<vmem>>, vector<16xi32>,
        %add3A_322 = arith.constant 2 : i32
        %add3A_323 = arith.addi %mul3A_293, %add3A_322 : i32
        %get3A_324 = arith.index_cast %add3A_323 : i32 to index
        %get3A_325 = arith.constant 0 : index
        %get3A_326 = tpu.vector_load %arg6[%get3A_324, %get3A_325] {strides = array<i32>} : memref<200x16xi32, #tpu.memory_space<vmem>>, vector<1x16xi32>,
        %get3A_327 = vector.shape_cast %get3A_326 : vector<1x16xi32> to vector<16xi32>
        %add3A_328 = arith.constant 2 : i32
        %add3A_329 = arith.addi %mul3A_293, %add3A_328 : i32
        %mul3A_330 = arith.constant 16 : i32
        %mul3A_331 = arith.muli %add3A_329, %mul3A_330 : i32
        %swap3A_332 = arith.index_cast %mul3A_331 : i32 to index
        %swap3A_333 = tpu.vector_load %arg8[%swap3A_332] {strides = array<i32>} : memref<3200xi32, #tpu.memory_space<vmem>>, vector<16xi32>,
        %swap3A_334 = vector.shape_cast %swap3A_333 : vector<16xi32> to vector<16xi32>
        %swap3A_335 = vector.shape_cast %get3A_327 : vector<16xi32> to vector<16xi32>
        tpu.vector_store %arg8[%swap3A_332], %swap3A_335 {strides = array<i32>} : memref<3200xi32, #tpu.memory_space<vmem>>, vector<16xi32>,
        %add3A_336 = arith.constant 3 : i32
        %add3A_337 = arith.addi %mul3A_293, %add3A_336 : i32
        %get3A_338 = arith.index_cast %add3A_337 : i32 to index
        %get3A_339 = arith.constant 0 : index
        %get3A_340 = tpu.vector_load %arg6[%get3A_338, %get3A_339] {strides = array<i32>} : memref<200x16xi32, #tpu.memory_space<vmem>>, vector<1x16xi32>,
        %get3A_341 = vector.shape_cast %get3A_340 : vector<1x16xi32> to vector<16xi32>
        %add3A_342 = arith.constant 3 : i32
        %add3A_343 = arith.addi %mul3A_293, %add3A_342 : i32
        %mul3A_344 = arith.constant 16 : i32
        %mul3A_345 = arith.muli %add3A_343, %mul3A_344 : i32
        %swap3A_346 = arith.index_cast %mul3A_345 : i32 to index
        %swap3A_347 = tpu.vector_load %arg8[%swap3A_346] {strides = array<i32>} : memref<3200xi32, #tpu.memory_space<vmem>>, vector<16xi32>,
        %swap3A_348 = vector.shape_cast %swap3A_347 : vector<16xi32> to vector<16xi32>
        %swap3A_349 = vector.shape_cast %get3A_341 : vector<16xi32> to vector<16xi32>
        tpu.vector_store %arg8[%swap3A_346], %swap3A_349 {strides = array<i32>} : memref<3200xi32, #tpu.memory_space<vmem>>, vector<16xi32>,
        %add3A_350 = arith.constant 4 : i32
        %add3A_351 = arith.addi %mul3A_293, %add3A_350 : i32
        %get3A_352 = arith.index_cast %add3A_351 : i32 to index
        %get3A_353 = arith.constant 0 : index
        %get3A_354 = tpu.vector_load %arg6[%get3A_352, %get3A_353] {strides = array<i32>} : memref<200x16xi32, #tpu.memory_space<vmem>>, vector<1x16xi32>,
        %get3A_355 = vector.shape_cast %get3A_354 : vector<1x16xi32> to vector<16xi32>
        %add3A_356 = arith.constant 4 : i32
        %add3A_357 = arith.addi %mul3A_293, %add3A_356 : i32
        %mul3A_358 = arith.constant 16 : i32
        %mul3A_359 = arith.muli %add3A_357, %mul3A_358 : i32
        %swap3A_360 = arith.index_cast %mul3A_359 : i32 to index
        %swap3A_361 = tpu.vector_load %arg8[%swap3A_360] {strides = array<i32>} : memref<3200xi32, #tpu.memory_space<vmem>>, vector<16xi32>,
        %swap3A_362 = vector.shape_cast %swap3A_361 : vector<16xi32> to vector<16xi32>
        %swap3A_363 = vector.shape_cast %get3A_355 : vector<16xi32> to vector<16xi32>
        tpu.vector_store %arg8[%swap3A_360], %swap3A_363 {strides = array<i32>} : memref<3200xi32, #tpu.memory_space<vmem>>, vector<16xi32>,
        %add3A_364 = arith.constant 5 : i32
        %add3A_365 = arith.addi %mul3A_293, %add3A_364 : i32
        %get3A_366 = arith.index_cast %add3A_365 : i32 to index
        %get3A_367 = arith.constant 0 : index
        %get3A_368 = tpu.vector_load %arg6[%get3A_366, %get3A_367] {strides = array<i32>} : memref<200x16xi32, #tpu.memory_space<vmem>>, vector<1x16xi32>,
        %get3A_369 = vector.shape_cast %get3A_368 : vector<1x16xi32> to vector<16xi32>
        %add3A_370 = arith.constant 5 : i32
        %add3A_371 = arith.addi %mul3A_293, %add3A_370 : i32
        %mul3A_372 = arith.constant 16 : i32
        %mul3A_373 = arith.muli %add3A_371, %mul3A_372 : i32
        %swap3A_374 = arith.index_cast %mul3A_373 : i32 to index
        %swap3A_375 = tpu.vector_load %arg8[%swap3A_374] {strides = array<i32>} : memref<3200xi32, #tpu.memory_space<vmem>>, vector<16xi32>,
        %swap3A_376 = vector.shape_cast %swap3A_375 : vector<16xi32> to vector<16xi32>
        %swap3A_377 = vector.shape_cast %get3A_369 : vector<16xi32> to vector<16xi32>
        tpu.vector_store %arg8[%swap3A_374], %swap3A_377 {strides = array<i32>} : memref<3200xi32, #tpu.memory_space<vmem>>, vector<16xi32>,
        %add3A_378 = arith.constant 6 : i32
        %add3A_379 = arith.addi %mul3A_293, %add3A_378 : i32
        %get3A_380 = arith.index_cast %add3A_379 : i32 to index
        %get3A_381 = arith.constant 0 : index
        %get3A_382 = tpu.vector_load %arg6[%get3A_380, %get3A_381] {strides = array<i32>} : memref<200x16xi32, #tpu.memory_space<vmem>>, vector<1x16xi32>,
        %get3A_383 = vector.shape_cast %get3A_382 : vector<1x16xi32> to vector<16xi32>
        %add3A_384 = arith.constant 6 : i32
        %add3A_385 = arith.addi %mul3A_293, %add3A_384 : i32
        %mul3A_386 = arith.constant 16 : i32
        %mul3A_387 = arith.muli %add3A_385, %mul3A_386 : i32
        %swap3A_388 = arith.index_cast %mul3A_387 : i32 to index
        %swap3A_389 = tpu.vector_load %arg8[%swap3A_388] {strides = array<i32>} : memref<3200xi32, #tpu.memory_space<vmem>>, vector<16xi32>,
        %swap3A_390 = vector.shape_cast %swap3A_389 : vector<16xi32> to vector<16xi32>
        %swap3A_391 = vector.shape_cast %get3A_383 : vector<16xi32> to vector<16xi32>
        tpu.vector_store %arg8[%swap3A_388], %swap3A_391 {strides = array<i32>} : memref<3200xi32, #tpu.memory_space<vmem>>, vector<16xi32>,
        %add3A_392 = arith.constant 7 : i32
        %add3A_393 = arith.addi %mul3A_293, %add3A_392 : i32
        %get3A_394 = arith.index_cast %add3A_393 : i32 to index
        %get3A_395 = arith.constant 0 : index
        %get3A_396 = tpu.vector_load %arg6[%get3A_394, %get3A_395] {strides = array<i32>} : memref<200x16xi32, #tpu.memory_space<vmem>>, vector<1x16xi32>,
        %get3A_397 = vector.shape_cast %get3A_396 : vector<1x16xi32> to vector<16xi32>
        %add3A_398 = arith.constant 7 : i32
        %add3A_399 = arith.addi %mul3A_293, %add3A_398 : i32
        %mul3A_400 = arith.constant 16 : i32
        %mul3A_401 = arith.muli %add3A_399, %mul3A_400 : i32
        %swap3A_402 = arith.index_cast %mul3A_401 : i32 to index
        %swap3A_403 = tpu.vector_load %arg8[%swap3A_402] {strides = array<i32>} : memref<3200xi32, #tpu.memory_space<vmem>>, vector<16xi32>,
        %swap3A_404 = vector.shape_cast %swap3A_403 : vector<16xi32> to vector<16xi32>
        %swap3A_405 = vector.shape_cast %get3A_397 : vector<16xi32> to vector<16xi32>
        tpu.vector_store %arg8[%swap3A_402], %swap3A_405 {strides = array<i32>} : memref<3200xi32, #tpu.memory_space<vmem>>, vector<16xi32>,
      }
      %scan3A_148 = arith.constant 25 : i32
      %dma_start3A_149 = arith.constant 0 : i32
      %dma_start3A_150 = tpu.memref_slice %arg10[%dma_start3A_149] : memref<3200xf32, #tpu.memory_space<vmem>> -> memref<3200xf32, #tpu.memory_space<vmem>>
      %dma_start3A_151 = arith.constant 0 : i32
      %dma_start3A_152 = tpu.memref_slice %arg8[%dma_start3A_151] : memref<3200xi32, #tpu.memory_space<vmem>> -> memref<3200xi32, #tpu.memory_space<vmem>>
      %dma_start3A_153 = arith.constant 0 : i32
      %dma_start3A_154 = tpu.memref_slice %arg13[%dma_start3A_153] : memref<1000000xf32, #tpu.memory_space<vmem_shared>> -> memref<1000000xf32, #tpu.memory_space<vmem_shared>>
      tpu.enqueue_indirect_dma source(%dma_start3A_154 : memref<1000000xf32, #tpu.memory_space<vmem_shared>>) target(%dma_start3A_150 : memref<3200xf32, #tpu.memory_space<vmem>>) offsets(%dma_start3A_152 : memref<3200xi32, #tpu.memory_space<vmem>>) semaphore(%arg15 : memref<!tpu.dma_semaphore, #tpu.memory_space<semaphore_mem>>)
      %add3A_155 = arith.constant 2 : i32
      %add3A_156 = arith.addi %mul3A_136, %add3A_155 : i32
      %mul3A_157 = arith.constant 16 : i32
      %mul3A_158 = arith.muli %add3A_156, %mul3A_157 : i32
      %add3A_159 = arith.addi %mul3A_2, %mul3A_158 : i32
      %dma_start3A_160 = arith.constant 0 : i32
      %dma_start3A_161 = tpu.memref_slice %arg2[%dma_start3A_160, %add3A_159] : memref<200x16384xi32, #tpu.memory_space<hbm>> -> memref<200x16xi32, #tpu.memory_space<hbm>>
      %dma_start3A_162 = arith.constant 0 : i32
      %dma_start3A_163 = tpu.memref_slice %arg2[%dma_start3A_162, %add3A_159] : memref<200x16384xi32, #tpu.memory_space<hbm>> -> memref<200x16xi32, #tpu.memory_space<hbm>>
      tpu.enqueue_dma source(%dma_start3A_163 : memref<200x16xi32, #tpu.memory_space<hbm>>) target(%arg6 : memref<200x16xi32, #tpu.memory_space<vmem>>) target_semaphore(%arg16 : memref<!tpu.dma_semaphore, #tpu.memory_space<semaphore_mem>>)
      %dma_wait3A_164 = arith.constant 0 : i32
      %dma_wait3A_165 = tpu.memref_slice %arg9[%dma_wait3A_164] : memref<3200xf32, #tpu.memory_space<vmem>> -> memref<3200xf32, #tpu.memory_space<vmem>>
      %dma_wait3A_166 = arith.constant 0 : i32
      %dma_wait3A_167 = tpu.memref_slice %arg7[%dma_wait3A_166] : memref<3200xi32, #tpu.memory_space<vmem>> -> memref<3200xi32, #tpu.memory_space<vmem>>
      %dma_wait3A_168 = arith.constant 0 : i32
      %dma_wait3A_169 = tpu.memref_slice %arg13[%dma_wait3A_168] : memref<1000000xf32, #tpu.memory_space<vmem_shared>> -> memref<1000000xf32, #tpu.memory_space<vmem_shared>>
      tpu.wait_indirect_dma semaphore(%arg14 : memref<!tpu.dma_semaphore, #tpu.memory_space<semaphore_mem>>) src(%dma_wait3A_169 : memref<1000000xf32, #tpu.memory_space<vmem_shared>>) dst(%dma_wait3A_165 : memref<3200xf32, #tpu.memory_space<vmem>>)
      %broadcast_in_dim3A_170 = arith.constant 0.000000e+00 : f32
      %broadcast_in_dim3A_171 = vector.broadcast %broadcast_in_dim3A_170 : f32 to vector<16xf32>
      %scan3A_172 = arith.constant 0 : i32
      %scan3A_173 = arith.constant 25 : i32
      %scan3A_174 = arith.addi %scan3A_172, %scan3A_173 : i32
      %scan3A_175 = arith.constant 1 : i32
      %scan3A_176:4 = scf.for %scan3A_291 = %scan3A_172 to %scan3A_174 step %scan3A_175 iter_args(%scan3A_292 = %broadcast_in_dim3A_171, %scan3A_293 = %broadcast_in_dim3A_171, %scan3A_294 = %broadcast_in_dim3A_171, %scan3A_295 = %broadcast_in_dim3A_171) -> (vector<16xf32>, vector<16xf32>, vector<16xf32>, vector<16xf32>)  : i32 {
        %mul3A_296 = arith.constant 128 : i32
        %mul3A_297 = arith.muli %scan3A_291, %mul3A_296 : i32
        %get3A_298 = arith.index_cast %mul3A_297 : i32 to index
        %get3A_299 = tpu.vector_load %arg9[%get3A_298] {strides = array<i32>} : memref<3200xf32, #tpu.memory_space<vmem>>, vector<16xf32>,
        %get3A_300 = vector.shape_cast %get3A_299 : vector<16xf32> to vector<16xf32>
        %add3A_301 = arith.addf %scan3A_292, %get3A_300 : vector<16xf32>
        %add3A_302 = arith.constant 16 : i32
        %add3A_303 = arith.addi %mul3A_297, %add3A_302 : i32
        %get3A_304 = arith.index_cast %add3A_303 : i32 to index
        %get3A_305 = tpu.vector_load %arg9[%get3A_304] {strides = array<i32>} : memref<3200xf32, #tpu.memory_space<vmem>>, vector<16xf32>,
        %get3A_306 = vector.shape_cast %get3A_305 : vector<16xf32> to vector<16xf32>
        %add3A_307 = arith.addf %scan3A_293, %get3A_306 : vector<16xf32>
        %add3A_308 = arith.constant 32 : i32
        %add3A_309 = arith.addi %mul3A_297, %add3A_308 : i32
        %get3A_310 = arith.index_cast %add3A_309 : i32 to index
        %get3A_311 = tpu.vector_load %arg9[%get3A_310] {strides = array<i32>} : memref<3200xf32, #tpu.memory_space<vmem>>, vector<16xf32>,
        %get3A_312 = vector.shape_cast %get3A_311 : vector<16xf32> to vector<16xf32>
        %add3A_313 = arith.addf %scan3A_294, %get3A_312 : vector<16xf32>
        %add3A_314 = arith.constant 48 : i32
        %add3A_315 = arith.addi %mul3A_297, %add3A_314 : i32
        %get3A_316 = arith.index_cast %add3A_315 : i32 to index
        %get3A_317 = tpu.vector_load %arg9[%get3A_316] {strides = array<i32>} : memref<3200xf32, #tpu.memory_space<vmem>>, vector<16xf32>,
        %get3A_318 = vector.shape_cast %get3A_317 : vector<16xf32> to vector<16xf32>
        %add3A_319 = arith.addf %scan3A_295, %get3A_318 : vector<16xf32>
        %add3A_320 = arith.constant 64 : i32
        %add3A_321 = arith.addi %mul3A_297, %add3A_320 : i32
        %get3A_322 = arith.index_cast %add3A_321 : i32 to index
        %get3A_323 = tpu.vector_load %arg9[%get3A_322] {strides = array<i32>} : memref<3200xf32, #tpu.memory_space<vmem>>, vector<16xf32>,
        %get3A_324 = vector.shape_cast %get3A_323 : vector<16xf32> to vector<16xf32>
        %add3A_325 = arith.addf %add3A_301, %get3A_324 : vector<16xf32>
        %add3A_326 = arith.constant 80 : i32
        %add3A_327 = arith.addi %mul3A_297, %add3A_326 : i32
        %get3A_328 = arith.index_cast %add3A_327 : i32 to index
        %get3A_329 = tpu.vector_load %arg9[%get3A_328] {strides = array<i32>} : memref<3200xf32, #tpu.memory_space<vmem>>, vector<16xf32>,
        %get3A_330 = vector.shape_cast %get3A_329 : vector<16xf32> to vector<16xf32>
        %add3A_331 = arith.addf %add3A_307, %get3A_330 : vector<16xf32>
        %add3A_332 = arith.constant 96 : i32
        %add3A_333 = arith.addi %mul3A_297, %add3A_332 : i32
        %get3A_334 = arith.index_cast %add3A_333 : i32 to index
        %get3A_335 = tpu.vector_load %arg9[%get3A_334] {strides = array<i32>} : memref<3200xf32, #tpu.memory_space<vmem>>, vector<16xf32>,
        %get3A_336 = vector.shape_cast %get3A_335 : vector<16xf32> to vector<16xf32>
        %add3A_337 = arith.addf %add3A_313, %get3A_336 : vector<16xf32>
        %add3A_338 = arith.constant 112 : i32
        %add3A_339 = arith.addi %mul3A_297, %add3A_338 : i32
        %get3A_340 = arith.index_cast %add3A_339 : i32 to index
        %get3A_341 = tpu.vector_load %arg9[%get3A_340] {strides = array<i32>} : memref<3200xf32, #tpu.memory_space<vmem>>, vector<16xf32>,
        %get3A_342 = vector.shape_cast %get3A_341 : vector<16xf32> to vector<16xf32>
        %add3A_343 = arith.addf %add3A_319, %get3A_342 : vector<16xf32>
        scf.yield %add3A_325, %add3A_331, %add3A_337, %add3A_343 : vector<16xf32>, vector<16xf32>, vector<16xf32>, vector<16xf32>
      }
      %scan3A_177 = arith.constant 25 : i32
      %add3A_178 = arith.addf %scan3A_176#0, %scan3A_176#1 : vector<16xf32>
      %add3A_179 = arith.addf %scan3A_176#2, %scan3A_176#3 : vector<16xf32>
      %add3A_180 = arith.addf %add3A_178, %add3A_179 : vector<16xf32>
      %mul3A_181 = arith.constant 5.000000e-03 : f32
      %mul3A_182 = vector.broadcast %mul3A_181 : f32 to vector<16xf32>
      %mul3A_183 = arith.mulf %add3A_180, %mul3A_182 : vector<16xf32>
      %add3A_184 = arith.addf %mul3A_183, %get3A_6 : vector<16xf32>
      %neg3A_185 = arith.constant 0.000000e+00 : f32
      %neg3A_186 = vector.broadcast %neg3A_185 : f32 to vector<16xf32>
      %neg3A_187 = arith.subf %neg3A_186, %add3A_184 : vector<16xf32>
      %exp3A_188 = math.exp %neg3A_187 : vector<16xf32>
      %add3A_189 = arith.constant 1.000000e+00 : f32
      %add3A_190 = vector.broadcast %add3A_189 : f32 to vector<16xf32>
      %add3A_191 = arith.addf %add3A_190, %exp3A_188 : vector<16xf32>
      %div3A_192 = arith.constant 1.000000e+00 : f32
      %div3A_193 = vector.broadcast %div3A_192 : f32 to vector<16xf32>
      %div3A_194 = arith.divf %div3A_193, %add3A_191 : vector<16xf32>
      %mul3A_195 = arith.constant 1.000000e+04 : f32
      %mul3A_196 = vector.broadcast %mul3A_195 : f32 to vector<16xf32>
      %mul3A_197 = arith.mulf %div3A_194, %mul3A_196 : vector<16xf32>
      %add3A_198 = arith.constant 0x4B400000 : f32
      %add3A_199 = vector.broadcast %add3A_198 : f32 to vector<16xf32>
      %add3A_200 = arith.addf %mul3A_197, %add3A_199 : vector<16xf32>
      %sub3A_201 = arith.constant 0x4B400000 : f32
      %sub3A_202 = vector.broadcast %sub3A_201 : f32 to vector<16xf32>
      %sub3A_203 = arith.subf %add3A_200, %sub3A_202 : vector<16xf32>
      %div3A_204 = arith.constant 1.000000e+04 : f32
      %div3A_205 = vector.broadcast %div3A_204 : f32 to vector<16xf32>
      %div3A_206 = arith.divf %sub3A_203, %div3A_205 : vector<16xf32>
      %mul3A_207 = arith.constant 16 : i32
      %mul3A_208 = arith.muli %mul3A_136, %mul3A_207 : i32
      %swap3A_209 = arith.index_cast %mul3A_208 : i32 to index
      %swap3A_210 = tpu.vector_load %arg12[%swap3A_209] {strides = array<i32>} : memref<512xf32, #tpu.memory_space<vmem>>, vector<16xf32>,
      %swap3A_211 = vector.shape_cast %swap3A_210 : vector<16xf32> to vector<16xf32>
      %swap3A_212 = vector.shape_cast %div3A_206 : vector<16xf32> to vector<16xf32>
      tpu.vector_store %arg12[%swap3A_209], %swap3A_212 {strides = array<i32>} : memref<512xf32, #tpu.memory_space<vmem>>, vector<16xf32>,
      %dma_wait3A_213 = arith.constant 0 : i32
      %dma_wait3A_214 = arith.constant 0 : i32
      %dma_wait3A_215 = tpu.memref_slice %arg2[%dma_wait3A_213, %dma_wait3A_214] : memref<200x16384xi32, #tpu.memory_space<hbm>> -> memref<200x16xi32, #tpu.memory_space<hbm>>
      %dma_wait3A_216 = arith.constant 0 : i32
      %dma_wait3A_217 = arith.constant 0 : i32
      %dma_wait3A_218 = tpu.memref_slice %arg2[%dma_wait3A_216, %dma_wait3A_217] : memref<200x16384xi32, #tpu.memory_space<hbm>> -> memref<200x16xi32, #tpu.memory_space<hbm>>
      tpu.wait_dma2 semaphore(%arg16 : memref<!tpu.dma_semaphore, #tpu.memory_space<semaphore_mem>>) src(%dma_wait3A_218 : memref<200x16xi32, #tpu.memory_space<hbm>>) dst(%arg6 : memref<200x16xi32, #tpu.memory_space<vmem>>)
      %scan3A_219 = arith.constant 0 : i32
      %scan3A_220 = arith.constant 0 : i32
      %scan3A_221 = arith.constant 25 : i32
      %scan3A_222 = arith.addi %scan3A_220, %scan3A_221 : i32
      %scan3A_223 = arith.constant 1 : i32
      scf.for %scan3A_291 = %scan3A_220 to %scan3A_222 step %scan3A_223  : i32 {
        %mul3A_292 = arith.constant 8 : i32
        %mul3A_293 = arith.muli %scan3A_291, %mul3A_292 : i32
        %add3A_294 = arith.constant 0 : i32
        %add3A_295 = arith.addi %mul3A_293, %add3A_294 : i32
        %get3A_296 = arith.index_cast %add3A_295 : i32 to index
        %get3A_297 = arith.constant 0 : index
        %get3A_298 = tpu.vector_load %arg6[%get3A_296, %get3A_297] {strides = array<i32>} : memref<200x16xi32, #tpu.memory_space<vmem>>, vector<1x16xi32>,
        %get3A_299 = vector.shape_cast %get3A_298 : vector<1x16xi32> to vector<16xi32>
        %add3A_300 = arith.constant 0 : i32
        %add3A_301 = arith.addi %mul3A_293, %add3A_300 : i32
        %mul3A_302 = arith.constant 16 : i32
        %mul3A_303 = arith.muli %add3A_301, %mul3A_302 : i32
        %swap3A_304 = arith.index_cast %mul3A_303 : i32 to index
        %swap3A_305 = tpu.vector_load %arg7[%swap3A_304] {strides = array<i32>} : memref<3200xi32, #tpu.memory_space<vmem>>, vector<16xi32>,
        %swap3A_306 = vector.shape_cast %swap3A_305 : vector<16xi32> to vector<16xi32>
        %swap3A_307 = vector.shape_cast %get3A_299 : vector<16xi32> to vector<16xi32>
        tpu.vector_store %arg7[%swap3A_304], %swap3A_307 {strides = array<i32>} : memref<3200xi32, #tpu.memory_space<vmem>>, vector<16xi32>,
        %add3A_308 = arith.constant 1 : i32
        %add3A_309 = arith.addi %mul3A_293, %add3A_308 : i32
        %get3A_310 = arith.index_cast %add3A_309 : i32 to index
        %get3A_311 = arith.constant 0 : index
        %get3A_312 = tpu.vector_load %arg6[%get3A_310, %get3A_311] {strides = array<i32>} : memref<200x16xi32, #tpu.memory_space<vmem>>, vector<1x16xi32>,
        %get3A_313 = vector.shape_cast %get3A_312 : vector<1x16xi32> to vector<16xi32>
        %add3A_314 = arith.constant 1 : i32
        %add3A_315 = arith.addi %mul3A_293, %add3A_314 : i32
        %mul3A_316 = arith.constant 16 : i32
        %mul3A_317 = arith.muli %add3A_315, %mul3A_316 : i32
        %swap3A_318 = arith.index_cast %mul3A_317 : i32 to index
        %swap3A_319 = tpu.vector_load %arg7[%swap3A_318] {strides = array<i32>} : memref<3200xi32, #tpu.memory_space<vmem>>, vector<16xi32>,
        %swap3A_320 = vector.shape_cast %swap3A_319 : vector<16xi32> to vector<16xi32>
        %swap3A_321 = vector.shape_cast %get3A_313 : vector<16xi32> to vector<16xi32>
        tpu.vector_store %arg7[%swap3A_318], %swap3A_321 {strides = array<i32>} : memref<3200xi32, #tpu.memory_space<vmem>>, vector<16xi32>,
        %add3A_322 = arith.constant 2 : i32
        %add3A_323 = arith.addi %mul3A_293, %add3A_322 : i32
        %get3A_324 = arith.index_cast %add3A_323 : i32 to index
        %get3A_325 = arith.constant 0 : index
        %get3A_326 = tpu.vector_load %arg6[%get3A_324, %get3A_325] {strides = array<i32>} : memref<200x16xi32, #tpu.memory_space<vmem>>, vector<1x16xi32>,
        %get3A_327 = vector.shape_cast %get3A_326 : vector<1x16xi32> to vector<16xi32>
        %add3A_328 = arith.constant 2 : i32
        %add3A_329 = arith.addi %mul3A_293, %add3A_328 : i32
        %mul3A_330 = arith.constant 16 : i32
        %mul3A_331 = arith.muli %add3A_329, %mul3A_330 : i32
        %swap3A_332 = arith.index_cast %mul3A_331 : i32 to index
        %swap3A_333 = tpu.vector_load %arg7[%swap3A_332] {strides = array<i32>} : memref<3200xi32, #tpu.memory_space<vmem>>, vector<16xi32>,
        %swap3A_334 = vector.shape_cast %swap3A_333 : vector<16xi32> to vector<16xi32>
        %swap3A_335 = vector.shape_cast %get3A_327 : vector<16xi32> to vector<16xi32>
        tpu.vector_store %arg7[%swap3A_332], %swap3A_335 {strides = array<i32>} : memref<3200xi32, #tpu.memory_space<vmem>>, vector<16xi32>,
        %add3A_336 = arith.constant 3 : i32
        %add3A_337 = arith.addi %mul3A_293, %add3A_336 : i32
        %get3A_338 = arith.index_cast %add3A_337 : i32 to index
        %get3A_339 = arith.constant 0 : index
        %get3A_340 = tpu.vector_load %arg6[%get3A_338, %get3A_339] {strides = array<i32>} : memref<200x16xi32, #tpu.memory_space<vmem>>, vector<1x16xi32>,
        %get3A_341 = vector.shape_cast %get3A_340 : vector<1x16xi32> to vector<16xi32>
        %add3A_342 = arith.constant 3 : i32
        %add3A_343 = arith.addi %mul3A_293, %add3A_342 : i32
        %mul3A_344 = arith.constant 16 : i32
        %mul3A_345 = arith.muli %add3A_343, %mul3A_344 : i32
        %swap3A_346 = arith.index_cast %mul3A_345 : i32 to index
        %swap3A_347 = tpu.vector_load %arg7[%swap3A_346] {strides = array<i32>} : memref<3200xi32, #tpu.memory_space<vmem>>, vector<16xi32>,
        %swap3A_348 = vector.shape_cast %swap3A_347 : vector<16xi32> to vector<16xi32>
        %swap3A_349 = vector.shape_cast %get3A_341 : vector<16xi32> to vector<16xi32>
        tpu.vector_store %arg7[%swap3A_346], %swap3A_349 {strides = array<i32>} : memref<3200xi32, #tpu.memory_space<vmem>>, vector<16xi32>,
        %add3A_350 = arith.constant 4 : i32
        %add3A_351 = arith.addi %mul3A_293, %add3A_350 : i32
        %get3A_352 = arith.index_cast %add3A_351 : i32 to index
        %get3A_353 = arith.constant 0 : index
        %get3A_354 = tpu.vector_load %arg6[%get3A_352, %get3A_353] {strides = array<i32>} : memref<200x16xi32, #tpu.memory_space<vmem>>, vector<1x16xi32>,
        %get3A_355 = vector.shape_cast %get3A_354 : vector<1x16xi32> to vector<16xi32>
        %add3A_356 = arith.constant 4 : i32
        %add3A_357 = arith.addi %mul3A_293, %add3A_356 : i32
        %mul3A_358 = arith.constant 16 : i32
        %mul3A_359 = arith.muli %add3A_357, %mul3A_358 : i32
        %swap3A_360 = arith.index_cast %mul3A_359 : i32 to index
        %swap3A_361 = tpu.vector_load %arg7[%swap3A_360] {strides = array<i32>} : memref<3200xi32, #tpu.memory_space<vmem>>, vector<16xi32>,
        %swap3A_362 = vector.shape_cast %swap3A_361 : vector<16xi32> to vector<16xi32>
        %swap3A_363 = vector.shape_cast %get3A_355 : vector<16xi32> to vector<16xi32>
        tpu.vector_store %arg7[%swap3A_360], %swap3A_363 {strides = array<i32>} : memref<3200xi32, #tpu.memory_space<vmem>>, vector<16xi32>,
        %add3A_364 = arith.constant 5 : i32
        %add3A_365 = arith.addi %mul3A_293, %add3A_364 : i32
        %get3A_366 = arith.index_cast %add3A_365 : i32 to index
        %get3A_367 = arith.constant 0 : index
        %get3A_368 = tpu.vector_load %arg6[%get3A_366, %get3A_367] {strides = array<i32>} : memref<200x16xi32, #tpu.memory_space<vmem>>, vector<1x16xi32>,
        %get3A_369 = vector.shape_cast %get3A_368 : vector<1x16xi32> to vector<16xi32>
        %add3A_370 = arith.constant 5 : i32
        %add3A_371 = arith.addi %mul3A_293, %add3A_370 : i32
        %mul3A_372 = arith.constant 16 : i32
        %mul3A_373 = arith.muli %add3A_371, %mul3A_372 : i32
        %swap3A_374 = arith.index_cast %mul3A_373 : i32 to index
        %swap3A_375 = tpu.vector_load %arg7[%swap3A_374] {strides = array<i32>} : memref<3200xi32, #tpu.memory_space<vmem>>, vector<16xi32>,
        %swap3A_376 = vector.shape_cast %swap3A_375 : vector<16xi32> to vector<16xi32>
        %swap3A_377 = vector.shape_cast %get3A_369 : vector<16xi32> to vector<16xi32>
        tpu.vector_store %arg7[%swap3A_374], %swap3A_377 {strides = array<i32>} : memref<3200xi32, #tpu.memory_space<vmem>>, vector<16xi32>,
        %add3A_378 = arith.constant 6 : i32
        %add3A_379 = arith.addi %mul3A_293, %add3A_378 : i32
        %get3A_380 = arith.index_cast %add3A_379 : i32 to index
        %get3A_381 = arith.constant 0 : index
        %get3A_382 = tpu.vector_load %arg6[%get3A_380, %get3A_381] {strides = array<i32>} : memref<200x16xi32, #tpu.memory_space<vmem>>, vector<1x16xi32>,
        %get3A_383 = vector.shape_cast %get3A_382 : vector<1x16xi32> to vector<16xi32>
        %add3A_384 = arith.constant 6 : i32
        %add3A_385 = arith.addi %mul3A_293, %add3A_384 : i32
        %mul3A_386 = arith.constant 16 : i32
        %mul3A_387 = arith.muli %add3A_385, %mul3A_386 : i32
        %swap3A_388 = arith.index_cast %mul3A_387 : i32 to index
        %swap3A_389 = tpu.vector_load %arg7[%swap3A_388] {strides = array<i32>} : memref<3200xi32, #tpu.memory_space<vmem>>, vector<16xi32>,
        %swap3A_390 = vector.shape_cast %swap3A_389 : vector<16xi32> to vector<16xi32>
        %swap3A_391 = vector.shape_cast %get3A_383 : vector<16xi32> to vector<16xi32>
        tpu.vector_store %arg7[%swap3A_388], %swap3A_391 {strides = array<i32>} : memref<3200xi32, #tpu.memory_space<vmem>>, vector<16xi32>,
        %add3A_392 = arith.constant 7 : i32
        %add3A_393 = arith.addi %mul3A_293, %add3A_392 : i32
        %get3A_394 = arith.index_cast %add3A_393 : i32 to index
        %get3A_395 = arith.constant 0 : index
        %get3A_396 = tpu.vector_load %arg6[%get3A_394, %get3A_395] {strides = array<i32>} : memref<200x16xi32, #tpu.memory_space<vmem>>, vector<1x16xi32>,
        %get3A_397 = vector.shape_cast %get3A_396 : vector<1x16xi32> to vector<16xi32>
        %add3A_398 = arith.constant 7 : i32
        %add3A_399 = arith.addi %mul3A_293, %add3A_398 : i32
        %mul3A_400 = arith.constant 16 : i32
        %mul3A_401 = arith.muli %add3A_399, %mul3A_400 : i32
        %swap3A_402 = arith.index_cast %mul3A_401 : i32 to index
        %swap3A_403 = tpu.vector_load %arg7[%swap3A_402] {strides = array<i32>} : memref<3200xi32, #tpu.memory_space<vmem>>, vector<16xi32>,
        %swap3A_404 = vector.shape_cast %swap3A_403 : vector<16xi32> to vector<16xi32>
        %swap3A_405 = vector.shape_cast %get3A_397 : vector<16xi32> to vector<16xi32>
        tpu.vector_store %arg7[%swap3A_402], %swap3A_405 {strides = array<i32>} : memref<3200xi32, #tpu.memory_space<vmem>>, vector<16xi32>,
      }
      %scan3A_224 = arith.constant 25 : i32
      %dma_start3A_225 = arith.constant 0 : i32
      %dma_start3A_226 = tpu.memref_slice %arg9[%dma_start3A_225] : memref<3200xf32, #tpu.memory_space<vmem>> -> memref<3200xf32, #tpu.memory_space<vmem>>
      %dma_start3A_227 = arith.constant 0 : i32
      %dma_start3A_228 = tpu.memref_slice %arg7[%dma_start3A_227] : memref<3200xi32, #tpu.memory_space<vmem>> -> memref<3200xi32, #tpu.memory_space<vmem>>
      %dma_start3A_229 = arith.constant 0 : i32
      %dma_start3A_230 = tpu.memref_slice %arg13[%dma_start3A_229] : memref<1000000xf32, #tpu.memory_space<vmem_shared>> -> memref<1000000xf32, #tpu.memory_space<vmem_shared>>
      tpu.enqueue_indirect_dma source(%dma_start3A_230 : memref<1000000xf32, #tpu.memory_space<vmem_shared>>) target(%dma_start3A_226 : memref<3200xf32, #tpu.memory_space<vmem>>) offsets(%dma_start3A_228 : memref<3200xi32, #tpu.memory_space<vmem>>) semaphore(%arg14 : memref<!tpu.dma_semaphore, #tpu.memory_space<semaphore_mem>>)
      %add3A_231 = arith.constant 3 : i32
      %add3A_232 = arith.addi %mul3A_136, %add3A_231 : i32
      %mul3A_233 = arith.constant 16 : i32
      %mul3A_234 = arith.muli %add3A_232, %mul3A_233 : i32
      %add3A_235 = arith.addi %mul3A_2, %mul3A_234 : i32
      %dma_start3A_236 = arith.constant 0 : i32
      %dma_start3A_237 = tpu.memref_slice %arg2[%dma_start3A_236, %add3A_235] : memref<200x16384xi32, #tpu.memory_space<hbm>> -> memref<200x16xi32, #tpu.memory_space<hbm>>
      %dma_start3A_238 = arith.constant 0 : i32
      %dma_start3A_239 = tpu.memref_slice %arg2[%dma_start3A_238, %add3A_235] : memref<200x16384xi32, #tpu.memory_space<hbm>> -> memref<200x16xi32, #tpu.memory_space<hbm>>
      tpu.enqueue_dma source(%dma_start3A_239 : memref<200x16xi32, #tpu.memory_space<hbm>>) target(%arg6 : memref<200x16xi32, #tpu.memory_space<vmem>>) target_semaphore(%arg16 : memref<!tpu.dma_semaphore, #tpu.memory_space<semaphore_mem>>)
      %dma_wait3A_240 = arith.constant 0 : i32
      %dma_wait3A_241 = tpu.memref_slice %arg10[%dma_wait3A_240] : memref<3200xf32, #tpu.memory_space<vmem>> -> memref<3200xf32, #tpu.memory_space<vmem>>
      %dma_wait3A_242 = arith.constant 0 : i32
      %dma_wait3A_243 = tpu.memref_slice %arg8[%dma_wait3A_242] : memref<3200xi32, #tpu.memory_space<vmem>> -> memref<3200xi32, #tpu.memory_space<vmem>>
      %dma_wait3A_244 = arith.constant 0 : i32
      %dma_wait3A_245 = tpu.memref_slice %arg13[%dma_wait3A_244] : memref<1000000xf32, #tpu.memory_space<vmem_shared>> -> memref<1000000xf32, #tpu.memory_space<vmem_shared>>
      tpu.wait_indirect_dma semaphore(%arg15 : memref<!tpu.dma_semaphore, #tpu.memory_space<semaphore_mem>>) src(%dma_wait3A_245 : memref<1000000xf32, #tpu.memory_space<vmem_shared>>) dst(%dma_wait3A_241 : memref<3200xf32, #tpu.memory_space<vmem>>)
      %add3A_246 = arith.constant 1 : i32
      %add3A_247 = arith.addi %mul3A_136, %add3A_246 : i32
      %broadcast_in_dim3A_248 = arith.constant 0.000000e+00 : f32
      %broadcast_in_dim3A_249 = vector.broadcast %broadcast_in_dim3A_248 : f32 to vector<16xf32>
      %scan3A_250 = arith.constant 0 : i32
      %scan3A_251 = arith.constant 25 : i32
      %scan3A_252 = arith.addi %scan3A_250, %scan3A_251 : i32
      %scan3A_253 = arith.constant 1 : i32
      %scan3A_254:4 = scf.for %scan3A_291 = %scan3A_250 to %scan3A_252 step %scan3A_253 iter_args(%scan3A_292 = %broadcast_in_dim3A_249, %scan3A_293 = %broadcast_in_dim3A_249, %scan3A_294 = %broadcast_in_dim3A_249, %scan3A_295 = %broadcast_in_dim3A_249) -> (vector<16xf32>, vector<16xf32>, vector<16xf32>, vector<16xf32>)  : i32 {
        %mul3A_296 = arith.constant 128 : i32
        %mul3A_297 = arith.muli %scan3A_291, %mul3A_296 : i32
        %get3A_298 = arith.index_cast %mul3A_297 : i32 to index
        %get3A_299 = tpu.vector_load %arg10[%get3A_298] {strides = array<i32>} : memref<3200xf32, #tpu.memory_space<vmem>>, vector<16xf32>,
        %get3A_300 = vector.shape_cast %get3A_299 : vector<16xf32> to vector<16xf32>
        %add3A_301 = arith.addf %scan3A_292, %get3A_300 : vector<16xf32>
        %add3A_302 = arith.constant 16 : i32
        %add3A_303 = arith.addi %mul3A_297, %add3A_302 : i32
        %get3A_304 = arith.index_cast %add3A_303 : i32 to index
        %get3A_305 = tpu.vector_load %arg10[%get3A_304] {strides = array<i32>} : memref<3200xf32, #tpu.memory_space<vmem>>, vector<16xf32>,
        %get3A_306 = vector.shape_cast %get3A_305 : vector<16xf32> to vector<16xf32>
        %add3A_307 = arith.addf %scan3A_293, %get3A_306 : vector<16xf32>
        %add3A_308 = arith.constant 32 : i32
        %add3A_309 = arith.addi %mul3A_297, %add3A_308 : i32
        %get3A_310 = arith.index_cast %add3A_309 : i32 to index
        %get3A_311 = tpu.vector_load %arg10[%get3A_310] {strides = array<i32>} : memref<3200xf32, #tpu.memory_space<vmem>>, vector<16xf32>,
        %get3A_312 = vector.shape_cast %get3A_311 : vector<16xf32> to vector<16xf32>
        %add3A_313 = arith.addf %scan3A_294, %get3A_312 : vector<16xf32>
        %add3A_314 = arith.constant 48 : i32
        %add3A_315 = arith.addi %mul3A_297, %add3A_314 : i32
        %get3A_316 = arith.index_cast %add3A_315 : i32 to index
        %get3A_317 = tpu.vector_load %arg10[%get3A_316] {strides = array<i32>} : memref<3200xf32, #tpu.memory_space<vmem>>, vector<16xf32>,
        %get3A_318 = vector.shape_cast %get3A_317 : vector<16xf32> to vector<16xf32>
        %add3A_319 = arith.addf %scan3A_295, %get3A_318 : vector<16xf32>
        %add3A_320 = arith.constant 64 : i32
        %add3A_321 = arith.addi %mul3A_297, %add3A_320 : i32
        %get3A_322 = arith.index_cast %add3A_321 : i32 to index
        %get3A_323 = tpu.vector_load %arg10[%get3A_322] {strides = array<i32>} : memref<3200xf32, #tpu.memory_space<vmem>>, vector<16xf32>,
        %get3A_324 = vector.shape_cast %get3A_323 : vector<16xf32> to vector<16xf32>
        %add3A_325 = arith.addf %add3A_301, %get3A_324 : vector<16xf32>
        %add3A_326 = arith.constant 80 : i32
        %add3A_327 = arith.addi %mul3A_297, %add3A_326 : i32
        %get3A_328 = arith.index_cast %add3A_327 : i32 to index
        %get3A_329 = tpu.vector_load %arg10[%get3A_328] {strides = array<i32>} : memref<3200xf32, #tpu.memory_space<vmem>>, vector<16xf32>,
        %get3A_330 = vector.shape_cast %get3A_329 : vector<16xf32> to vector<16xf32>
        %add3A_331 = arith.addf %add3A_307, %get3A_330 : vector<16xf32>
        %add3A_332 = arith.constant 96 : i32
        %add3A_333 = arith.addi %mul3A_297, %add3A_332 : i32
        %get3A_334 = arith.index_cast %add3A_333 : i32 to index
        %get3A_335 = tpu.vector_load %arg10[%get3A_334] {strides = array<i32>} : memref<3200xf32, #tpu.memory_space<vmem>>, vector<16xf32>,
        %get3A_336 = vector.shape_cast %get3A_335 : vector<16xf32> to vector<16xf32>
        %add3A_337 = arith.addf %add3A_313, %get3A_336 : vector<16xf32>
        %add3A_338 = arith.constant 112 : i32
        %add3A_339 = arith.addi %mul3A_297, %add3A_338 : i32
        %get3A_340 = arith.index_cast %add3A_339 : i32 to index
        %get3A_341 = tpu.vector_load %arg10[%get3A_340] {strides = array<i32>} : memref<3200xf32, #tpu.memory_space<vmem>>, vector<16xf32>,
        %get3A_342 = vector.shape_cast %get3A_341 : vector<16xf32> to vector<16xf32>
        %add3A_343 = arith.addf %add3A_319, %get3A_342 : vector<16xf32>
        scf.yield %add3A_325, %add3A_331, %add3A_337, %add3A_343 : vector<16xf32>, vector<16xf32>, vector<16xf32>, vector<16xf32>
      }
      %scan3A_255 = arith.constant 25 : i32
      %add3A_256 = arith.addf %scan3A_254#0, %scan3A_254#1 : vector<16xf32>
      %add3A_257 = arith.addf %scan3A_254#2, %scan3A_254#3 : vector<16xf32>
      %add3A_258 = arith.addf %add3A_256, %add3A_257 : vector<16xf32>
      %mul3A_259 = arith.constant 5.000000e-03 : f32
      %mul3A_260 = vector.broadcast %mul3A_259 : f32 to vector<16xf32>
      %mul3A_261 = arith.mulf %add3A_258, %mul3A_260 : vector<16xf32>
      %add3A_262 = arith.addf %mul3A_261, %get3A_6 : vector<16xf32>
      %neg3A_263 = arith.constant 0.000000e+00 : f32
      %neg3A_264 = vector.broadcast %neg3A_263 : f32 to vector<16xf32>
      %neg3A_265 = arith.subf %neg3A_264, %add3A_262 : vector<16xf32>
      %exp3A_266 = math.exp %neg3A_265 : vector<16xf32>
      %add3A_267 = arith.constant 1.000000e+00 : f32
      %add3A_268 = vector.broadcast %add3A_267 : f32 to vector<16xf32>
      %add3A_269 = arith.addf %add3A_268, %exp3A_266 : vector<16xf32>
      %div3A_270 = arith.constant 1.000000e+00 : f32
      %div3A_271 = vector.broadcast %div3A_270 : f32 to vector<16xf32>
      %div3A_272 = arith.divf %div3A_271, %add3A_269 : vector<16xf32>
      %mul3A_273 = arith.constant 1.000000e+04 : f32
      %mul3A_274 = vector.broadcast %mul3A_273 : f32 to vector<16xf32>
      %mul3A_275 = arith.mulf %div3A_272, %mul3A_274 : vector<16xf32>
      %add3A_276 = arith.constant 0x4B400000 : f32
      %add3A_277 = vector.broadcast %add3A_276 : f32 to vector<16xf32>
      %add3A_278 = arith.addf %mul3A_275, %add3A_277 : vector<16xf32>
      %sub3A_279 = arith.constant 0x4B400000 : f32
      %sub3A_280 = vector.broadcast %sub3A_279 : f32 to vector<16xf32>
      %sub3A_281 = arith.subf %add3A_278, %sub3A_280 : vector<16xf32>
      %div3A_282 = arith.constant 1.000000e+04 : f32
      %div3A_283 = vector.broadcast %div3A_282 : f32 to vector<16xf32>
      %div3A_284 = arith.divf %sub3A_281, %div3A_283 : vector<16xf32>
      %mul3A_285 = arith.constant 16 : i32
      %mul3A_286 = arith.muli %add3A_247, %mul3A_285 : i32
      %swap3A_287 = arith.index_cast %mul3A_286 : i32 to index
      %swap3A_288 = tpu.vector_load %arg12[%swap3A_287] {strides = array<i32>} : memref<512xf32, #tpu.memory_space<vmem>>, vector<16xf32>,
      %swap3A_289 = vector.shape_cast %swap3A_288 : vector<16xf32> to vector<16xf32>
      %swap3A_290 = vector.shape_cast %div3A_284 : vector<16xf32> to vector<16xf32>
      tpu.vector_store %arg12[%swap3A_287], %swap3A_290 {strides = array<i32>} : memref<512xf32, #tpu.memory_space<vmem>>, vector<16xf32>,
    }
    %scan3A_28 = arith.constant 15 : i32
    %dma_wait3A = arith.constant 0 : i32
    %dma_wait3A_29 = arith.constant 0 : i32
    %dma_wait3A_30 = tpu.memref_slice %arg2[%dma_wait3A, %dma_wait3A_29] : memref<200x16384xi32, #tpu.memory_space<hbm>> -> memref<200x16xi32, #tpu.memory_space<hbm>>
    %dma_wait3A_31 = arith.constant 0 : i32
    %dma_wait3A_32 = arith.constant 0 : i32
    %dma_wait3A_33 = tpu.memref_slice %arg2[%dma_wait3A_31, %dma_wait3A_32] : memref<200x16384xi32, #tpu.memory_space<hbm>> -> memref<200x16xi32, #tpu.memory_space<hbm>>
    tpu.wait_dma2 semaphore(%arg16 : memref<!tpu.dma_semaphore, #tpu.memory_space<semaphore_mem>>) src(%dma_wait3A_33 : memref<200x16xi32, #tpu.memory_space<hbm>>) dst(%arg6 : memref<200x16xi32, #tpu.memory_space<vmem>>)
    %scan3A_34 = arith.constant 0 : i32
    %scan3A_35 = arith.constant 0 : i32
    %scan3A_36 = arith.constant 25 : i32
    %scan3A_37 = arith.addi %scan3A_35, %scan3A_36 : i32
    %scan3A_38 = arith.constant 1 : i32
    scf.for %scan3A_134 = %scan3A_35 to %scan3A_37 step %scan3A_38  : i32 {
      %mul3A_135 = arith.constant 8 : i32
      %mul3A_136 = arith.muli %scan3A_134, %mul3A_135 : i32
      %add3A_137 = arith.constant 0 : i32
      %add3A_138 = arith.addi %mul3A_136, %add3A_137 : i32
      %get3A_139 = arith.index_cast %add3A_138 : i32 to index
      %get3A_140 = arith.constant 0 : index
      %get3A_141 = tpu.vector_load %arg6[%get3A_139, %get3A_140] {strides = array<i32>} : memref<200x16xi32, #tpu.memory_space<vmem>>, vector<1x16xi32>,
      %get3A_142 = vector.shape_cast %get3A_141 : vector<1x16xi32> to vector<16xi32>
      %add3A_143 = arith.constant 0 : i32
      %add3A_144 = arith.addi %mul3A_136, %add3A_143 : i32
      %mul3A_145 = arith.constant 16 : i32
      %mul3A_146 = arith.muli %add3A_144, %mul3A_145 : i32
      %swap3A_147 = arith.index_cast %mul3A_146 : i32 to index
      %swap3A_148 = tpu.vector_load %arg8[%swap3A_147] {strides = array<i32>} : memref<3200xi32, #tpu.memory_space<vmem>>, vector<16xi32>,
      %swap3A_149 = vector.shape_cast %swap3A_148 : vector<16xi32> to vector<16xi32>
      %swap3A_150 = vector.shape_cast %get3A_142 : vector<16xi32> to vector<16xi32>
      tpu.vector_store %arg8[%swap3A_147], %swap3A_150 {strides = array<i32>} : memref<3200xi32, #tpu.memory_space<vmem>>, vector<16xi32>,
      %add3A_151 = arith.constant 1 : i32
      %add3A_152 = arith.addi %mul3A_136, %add3A_151 : i32
      %get3A_153 = arith.index_cast %add3A_152 : i32 to index
      %get3A_154 = arith.constant 0 : index
      %get3A_155 = tpu.vector_load %arg6[%get3A_153, %get3A_154] {strides = array<i32>} : memref<200x16xi32, #tpu.memory_space<vmem>>, vector<1x16xi32>,
      %get3A_156 = vector.shape_cast %get3A_155 : vector<1x16xi32> to vector<16xi32>
      %add3A_157 = arith.constant 1 : i32
      %add3A_158 = arith.addi %mul3A_136, %add3A_157 : i32
      %mul3A_159 = arith.constant 16 : i32
      %mul3A_160 = arith.muli %add3A_158, %mul3A_159 : i32
      %swap3A_161 = arith.index_cast %mul3A_160 : i32 to index
      %swap3A_162 = tpu.vector_load %arg8[%swap3A_161] {strides = array<i32>} : memref<3200xi32, #tpu.memory_space<vmem>>, vector<16xi32>,
      %swap3A_163 = vector.shape_cast %swap3A_162 : vector<16xi32> to vector<16xi32>
      %swap3A_164 = vector.shape_cast %get3A_156 : vector<16xi32> to vector<16xi32>
      tpu.vector_store %arg8[%swap3A_161], %swap3A_164 {strides = array<i32>} : memref<3200xi32, #tpu.memory_space<vmem>>, vector<16xi32>,
      %add3A_165 = arith.constant 2 : i32
      %add3A_166 = arith.addi %mul3A_136, %add3A_165 : i32
      %get3A_167 = arith.index_cast %add3A_166 : i32 to index
      %get3A_168 = arith.constant 0 : index
      %get3A_169 = tpu.vector_load %arg6[%get3A_167, %get3A_168] {strides = array<i32>} : memref<200x16xi32, #tpu.memory_space<vmem>>, vector<1x16xi32>,
      %get3A_170 = vector.shape_cast %get3A_169 : vector<1x16xi32> to vector<16xi32>
      %add3A_171 = arith.constant 2 : i32
      %add3A_172 = arith.addi %mul3A_136, %add3A_171 : i32
      %mul3A_173 = arith.constant 16 : i32
      %mul3A_174 = arith.muli %add3A_172, %mul3A_173 : i32
      %swap3A_175 = arith.index_cast %mul3A_174 : i32 to index
      %swap3A_176 = tpu.vector_load %arg8[%swap3A_175] {strides = array<i32>} : memref<3200xi32, #tpu.memory_space<vmem>>, vector<16xi32>,
      %swap3A_177 = vector.shape_cast %swap3A_176 : vector<16xi32> to vector<16xi32>
      %swap3A_178 = vector.shape_cast %get3A_170 : vector<16xi32> to vector<16xi32>
      tpu.vector_store %arg8[%swap3A_175], %swap3A_178 {strides = array<i32>} : memref<3200xi32, #tpu.memory_space<vmem>>, vector<16xi32>,
      %add3A_179 = arith.constant 3 : i32
      %add3A_180 = arith.addi %mul3A_136, %add3A_179 : i32
      %get3A_181 = arith.index_cast %add3A_180 : i32 to index
      %get3A_182 = arith.constant 0 : index
      %get3A_183 = tpu.vector_load %arg6[%get3A_181, %get3A_182] {strides = array<i32>} : memref<200x16xi32, #tpu.memory_space<vmem>>, vector<1x16xi32>,
      %get3A_184 = vector.shape_cast %get3A_183 : vector<1x16xi32> to vector<16xi32>
      %add3A_185 = arith.constant 3 : i32
      %add3A_186 = arith.addi %mul3A_136, %add3A_185 : i32
      %mul3A_187 = arith.constant 16 : i32
      %mul3A_188 = arith.muli %add3A_186, %mul3A_187 : i32
      %swap3A_189 = arith.index_cast %mul3A_188 : i32 to index
      %swap3A_190 = tpu.vector_load %arg8[%swap3A_189] {strides = array<i32>} : memref<3200xi32, #tpu.memory_space<vmem>>, vector<16xi32>,
      %swap3A_191 = vector.shape_cast %swap3A_190 : vector<16xi32> to vector<16xi32>
      %swap3A_192 = vector.shape_cast %get3A_184 : vector<16xi32> to vector<16xi32>
      tpu.vector_store %arg8[%swap3A_189], %swap3A_192 {strides = array<i32>} : memref<3200xi32, #tpu.memory_space<vmem>>, vector<16xi32>,
      %add3A_193 = arith.constant 4 : i32
      %add3A_194 = arith.addi %mul3A_136, %add3A_193 : i32
      %get3A_195 = arith.index_cast %add3A_194 : i32 to index
      %get3A_196 = arith.constant 0 : index
      %get3A_197 = tpu.vector_load %arg6[%get3A_195, %get3A_196] {strides = array<i32>} : memref<200x16xi32, #tpu.memory_space<vmem>>, vector<1x16xi32>,
      %get3A_198 = vector.shape_cast %get3A_197 : vector<1x16xi32> to vector<16xi32>
      %add3A_199 = arith.constant 4 : i32
      %add3A_200 = arith.addi %mul3A_136, %add3A_199 : i32
      %mul3A_201 = arith.constant 16 : i32
      %mul3A_202 = arith.muli %add3A_200, %mul3A_201 : i32
      %swap3A_203 = arith.index_cast %mul3A_202 : i32 to index
      %swap3A_204 = tpu.vector_load %arg8[%swap3A_203] {strides = array<i32>} : memref<3200xi32, #tpu.memory_space<vmem>>, vector<16xi32>,
      %swap3A_205 = vector.shape_cast %swap3A_204 : vector<16xi32> to vector<16xi32>
      %swap3A_206 = vector.shape_cast %get3A_198 : vector<16xi32> to vector<16xi32>
      tpu.vector_store %arg8[%swap3A_203], %swap3A_206 {strides = array<i32>} : memref<3200xi32, #tpu.memory_space<vmem>>, vector<16xi32>,
      %add3A_207 = arith.constant 5 : i32
      %add3A_208 = arith.addi %mul3A_136, %add3A_207 : i32
      %get3A_209 = arith.index_cast %add3A_208 : i32 to index
      %get3A_210 = arith.constant 0 : index
      %get3A_211 = tpu.vector_load %arg6[%get3A_209, %get3A_210] {strides = array<i32>} : memref<200x16xi32, #tpu.memory_space<vmem>>, vector<1x16xi32>,
      %get3A_212 = vector.shape_cast %get3A_211 : vector<1x16xi32> to vector<16xi32>
      %add3A_213 = arith.constant 5 : i32
      %add3A_214 = arith.addi %mul3A_136, %add3A_213 : i32
      %mul3A_215 = arith.constant 16 : i32
      %mul3A_216 = arith.muli %add3A_214, %mul3A_215 : i32
      %swap3A_217 = arith.index_cast %mul3A_216 : i32 to index
      %swap3A_218 = tpu.vector_load %arg8[%swap3A_217] {strides = array<i32>} : memref<3200xi32, #tpu.memory_space<vmem>>, vector<16xi32>,
      %swap3A_219 = vector.shape_cast %swap3A_218 : vector<16xi32> to vector<16xi32>
      %swap3A_220 = vector.shape_cast %get3A_212 : vector<16xi32> to vector<16xi32>
      tpu.vector_store %arg8[%swap3A_217], %swap3A_220 {strides = array<i32>} : memref<3200xi32, #tpu.memory_space<vmem>>, vector<16xi32>,
      %add3A_221 = arith.constant 6 : i32
      %add3A_222 = arith.addi %mul3A_136, %add3A_221 : i32
      %get3A_223 = arith.index_cast %add3A_222 : i32 to index
      %get3A_224 = arith.constant 0 : index
      %get3A_225 = tpu.vector_load %arg6[%get3A_223, %get3A_224] {strides = array<i32>} : memref<200x16xi32, #tpu.memory_space<vmem>>, vector<1x16xi32>,
      %get3A_226 = vector.shape_cast %get3A_225 : vector<1x16xi32> to vector<16xi32>
      %add3A_227 = arith.constant 6 : i32
      %add3A_228 = arith.addi %mul3A_136, %add3A_227 : i32
      %mul3A_229 = arith.constant 16 : i32
      %mul3A_230 = arith.muli %add3A_228, %mul3A_229 : i32
      %swap3A_231 = arith.index_cast %mul3A_230 : i32 to index
      %swap3A_232 = tpu.vector_load %arg8[%swap3A_231] {strides = array<i32>} : memref<3200xi32, #tpu.memory_space<vmem>>, vector<16xi32>,
      %swap3A_233 = vector.shape_cast %swap3A_232 : vector<16xi32> to vector<16xi32>
      %swap3A_234 = vector.shape_cast %get3A_226 : vector<16xi32> to vector<16xi32>
      tpu.vector_store %arg8[%swap3A_231], %swap3A_234 {strides = array<i32>} : memref<3200xi32, #tpu.memory_space<vmem>>, vector<16xi32>,
      %add3A_235 = arith.constant 7 : i32
      %add3A_236 = arith.addi %mul3A_136, %add3A_235 : i32
      %get3A_237 = arith.index_cast %add3A_236 : i32 to index
      %get3A_238 = arith.constant 0 : index
      %get3A_239 = tpu.vector_load %arg6[%get3A_237, %get3A_238] {strides = array<i32>} : memref<200x16xi32, #tpu.memory_space<vmem>>, vector<1x16xi32>,
      %get3A_240 = vector.shape_cast %get3A_239 : vector<1x16xi32> to vector<16xi32>
      %add3A_241 = arith.constant 7 : i32
      %add3A_242 = arith.addi %mul3A_136, %add3A_241 : i32
      %mul3A_243 = arith.constant 16 : i32
      %mul3A_244 = arith.muli %add3A_242, %mul3A_243 : i32
      %swap3A_245 = arith.index_cast %mul3A_244 : i32 to index
      %swap3A_246 = tpu.vector_load %arg8[%swap3A_245] {strides = array<i32>} : memref<3200xi32, #tpu.memory_space<vmem>>, vector<16xi32>,
      %swap3A_247 = vector.shape_cast %swap3A_246 : vector<16xi32> to vector<16xi32>
      %swap3A_248 = vector.shape_cast %get3A_240 : vector<16xi32> to vector<16xi32>
      tpu.vector_store %arg8[%swap3A_245], %swap3A_248 {strides = array<i32>} : memref<3200xi32, #tpu.memory_space<vmem>>, vector<16xi32>,
    }
    %scan3A_39 = arith.constant 25 : i32
    %dma_start3A_40 = arith.constant 0 : i32
    %dma_start3A_41 = tpu.memref_slice %arg10[%dma_start3A_40] : memref<3200xf32, #tpu.memory_space<vmem>> -> memref<3200xf32, #tpu.memory_space<vmem>>
    %dma_start3A_42 = arith.constant 0 : i32
    %dma_start3A_43 = tpu.memref_slice %arg8[%dma_start3A_42] : memref<3200xi32, #tpu.memory_space<vmem>> -> memref<3200xi32, #tpu.memory_space<vmem>>
    %dma_start3A_44 = arith.constant 0 : i32
    %dma_start3A_45 = tpu.memref_slice %arg13[%dma_start3A_44] : memref<1000000xf32, #tpu.memory_space<vmem_shared>> -> memref<1000000xf32, #tpu.memory_space<vmem_shared>>
    tpu.enqueue_indirect_dma source(%dma_start3A_45 : memref<1000000xf32, #tpu.memory_space<vmem_shared>>) target(%dma_start3A_41 : memref<3200xf32, #tpu.memory_space<vmem>>) offsets(%dma_start3A_43 : memref<3200xi32, #tpu.memory_space<vmem>>) semaphore(%arg15 : memref<!tpu.dma_semaphore, #tpu.memory_space<semaphore_mem>>)
    %dma_wait3A_46 = arith.constant 0 : i32
    %dma_wait3A_47 = tpu.memref_slice %arg9[%dma_wait3A_46] : memref<3200xf32, #tpu.memory_space<vmem>> -> memref<3200xf32, #tpu.memory_space<vmem>>
    %dma_wait3A_48 = arith.constant 0 : i32
    %dma_wait3A_49 = tpu.memref_slice %arg7[%dma_wait3A_48] : memref<3200xi32, #tpu.memory_space<vmem>> -> memref<3200xi32, #tpu.memory_space<vmem>>
    %dma_wait3A_50 = arith.constant 0 : i32
    %dma_wait3A_51 = tpu.memref_slice %arg13[%dma_wait3A_50] : memref<1000000xf32, #tpu.memory_space<vmem_shared>> -> memref<1000000xf32, #tpu.memory_space<vmem_shared>>
    tpu.wait_indirect_dma semaphore(%arg14 : memref<!tpu.dma_semaphore, #tpu.memory_space<semaphore_mem>>) src(%dma_wait3A_51 : memref<1000000xf32, #tpu.memory_space<vmem_shared>>) dst(%dma_wait3A_47 : memref<3200xf32, #tpu.memory_space<vmem>>)
    %broadcast_in_dim3A = arith.constant 0.000000e+00 : f32
    %broadcast_in_dim3A_52 = vector.broadcast %broadcast_in_dim3A : f32 to vector<16xf32>
    %scan3A_53 = arith.constant 0 : i32
    %scan3A_54 = arith.constant 25 : i32
    %scan3A_55 = arith.addi %scan3A_53, %scan3A_54 : i32
    %scan3A_56 = arith.constant 1 : i32
    %scan3A_57:4 = scf.for %scan3A_134 = %scan3A_53 to %scan3A_55 step %scan3A_56 iter_args(%scan3A_135 = %broadcast_in_dim3A_52, %scan3A_136 = %broadcast_in_dim3A_52, %scan3A_137 = %broadcast_in_dim3A_52, %scan3A_138 = %broadcast_in_dim3A_52) -> (vector<16xf32>, vector<16xf32>, vector<16xf32>, vector<16xf32>)  : i32 {
      %mul3A_139 = arith.constant 128 : i32
      %mul3A_140 = arith.muli %scan3A_134, %mul3A_139 : i32
      %get3A_141 = arith.index_cast %mul3A_140 : i32 to index
      %get3A_142 = tpu.vector_load %arg9[%get3A_141] {strides = array<i32>} : memref<3200xf32, #tpu.memory_space<vmem>>, vector<16xf32>,
      %get3A_143 = vector.shape_cast %get3A_142 : vector<16xf32> to vector<16xf32>
      %add3A_144 = arith.addf %scan3A_135, %get3A_143 : vector<16xf32>
      %add3A_145 = arith.constant 16 : i32
      %add3A_146 = arith.addi %mul3A_140, %add3A_145 : i32
      %get3A_147 = arith.index_cast %add3A_146 : i32 to index
      %get3A_148 = tpu.vector_load %arg9[%get3A_147] {strides = array<i32>} : memref<3200xf32, #tpu.memory_space<vmem>>, vector<16xf32>,
      %get3A_149 = vector.shape_cast %get3A_148 : vector<16xf32> to vector<16xf32>
      %add3A_150 = arith.addf %scan3A_136, %get3A_149 : vector<16xf32>
      %add3A_151 = arith.constant 32 : i32
      %add3A_152 = arith.addi %mul3A_140, %add3A_151 : i32
      %get3A_153 = arith.index_cast %add3A_152 : i32 to index
      %get3A_154 = tpu.vector_load %arg9[%get3A_153] {strides = array<i32>} : memref<3200xf32, #tpu.memory_space<vmem>>, vector<16xf32>,
      %get3A_155 = vector.shape_cast %get3A_154 : vector<16xf32> to vector<16xf32>
      %add3A_156 = arith.addf %scan3A_137, %get3A_155 : vector<16xf32>
      %add3A_157 = arith.constant 48 : i32
      %add3A_158 = arith.addi %mul3A_140, %add3A_157 : i32
      %get3A_159 = arith.index_cast %add3A_158 : i32 to index
      %get3A_160 = tpu.vector_load %arg9[%get3A_159] {strides = array<i32>} : memref<3200xf32, #tpu.memory_space<vmem>>, vector<16xf32>,
      %get3A_161 = vector.shape_cast %get3A_160 : vector<16xf32> to vector<16xf32>
      %add3A_162 = arith.addf %scan3A_138, %get3A_161 : vector<16xf32>
      %add3A_163 = arith.constant 64 : i32
      %add3A_164 = arith.addi %mul3A_140, %add3A_163 : i32
      %get3A_165 = arith.index_cast %add3A_164 : i32 to index
      %get3A_166 = tpu.vector_load %arg9[%get3A_165] {strides = array<i32>} : memref<3200xf32, #tpu.memory_space<vmem>>, vector<16xf32>,
      %get3A_167 = vector.shape_cast %get3A_166 : vector<16xf32> to vector<16xf32>
      %add3A_168 = arith.addf %add3A_144, %get3A_167 : vector<16xf32>
      %add3A_169 = arith.constant 80 : i32
      %add3A_170 = arith.addi %mul3A_140, %add3A_169 : i32
      %get3A_171 = arith.index_cast %add3A_170 : i32 to index
      %get3A_172 = tpu.vector_load %arg9[%get3A_171] {strides = array<i32>} : memref<3200xf32, #tpu.memory_space<vmem>>, vector<16xf32>,
      %get3A_173 = vector.shape_cast %get3A_172 : vector<16xf32> to vector<16xf32>
      %add3A_174 = arith.addf %add3A_150, %get3A_173 : vector<16xf32>
      %add3A_175 = arith.constant 96 : i32
      %add3A_176 = arith.addi %mul3A_140, %add3A_175 : i32
      %get3A_177 = arith.index_cast %add3A_176 : i32 to index
      %get3A_178 = tpu.vector_load %arg9[%get3A_177] {strides = array<i32>} : memref<3200xf32, #tpu.memory_space<vmem>>, vector<16xf32>,
      %get3A_179 = vector.shape_cast %get3A_178 : vector<16xf32> to vector<16xf32>
      %add3A_180 = arith.addf %add3A_156, %get3A_179 : vector<16xf32>
      %add3A_181 = arith.constant 112 : i32
      %add3A_182 = arith.addi %mul3A_140, %add3A_181 : i32
      %get3A_183 = arith.index_cast %add3A_182 : i32 to index
      %get3A_184 = tpu.vector_load %arg9[%get3A_183] {strides = array<i32>} : memref<3200xf32, #tpu.memory_space<vmem>>, vector<16xf32>,
      %get3A_185 = vector.shape_cast %get3A_184 : vector<16xf32> to vector<16xf32>
      %add3A_186 = arith.addf %add3A_162, %get3A_185 : vector<16xf32>
      scf.yield %add3A_168, %add3A_174, %add3A_180, %add3A_186 : vector<16xf32>, vector<16xf32>, vector<16xf32>, vector<16xf32>
    }
    %scan3A_58 = arith.constant 25 : i32
    %add3A_59 = arith.addf %scan3A_57#0, %scan3A_57#1 : vector<16xf32>
    %add3A_60 = arith.addf %scan3A_57#2, %scan3A_57#3 : vector<16xf32>
    %add3A_61 = arith.addf %add3A_59, %add3A_60 : vector<16xf32>
    %mul3A_62 = arith.constant 5.000000e-03 : f32
    %mul3A_63 = vector.broadcast %mul3A_62 : f32 to vector<16xf32>
    %mul3A_64 = arith.mulf %add3A_61, %mul3A_63 : vector<16xf32>
    %add3A_65 = arith.addf %mul3A_64, %get3A_6 : vector<16xf32>
    %neg3A = arith.constant 0.000000e+00 : f32
    %neg3A_66 = vector.broadcast %neg3A : f32 to vector<16xf32>
    %neg3A_67 = arith.subf %neg3A_66, %add3A_65 : vector<16xf32>
    %exp3A = math.exp %neg3A_67 : vector<16xf32>
    %add3A_68 = arith.constant 1.000000e+00 : f32
    %add3A_69 = vector.broadcast %add3A_68 : f32 to vector<16xf32>
    %add3A_70 = arith.addf %add3A_69, %exp3A : vector<16xf32>
    %div3A = arith.constant 1.000000e+00 : f32
    %div3A_71 = vector.broadcast %div3A : f32 to vector<16xf32>
    %div3A_72 = arith.divf %div3A_71, %add3A_70 : vector<16xf32>
    %mul3A_73 = arith.constant 1.000000e+04 : f32
    %mul3A_74 = vector.broadcast %mul3A_73 : f32 to vector<16xf32>
    %mul3A_75 = arith.mulf %div3A_72, %mul3A_74 : vector<16xf32>
    %add3A_76 = arith.constant 0x4B400000 : f32
    %add3A_77 = vector.broadcast %add3A_76 : f32 to vector<16xf32>
    %add3A_78 = arith.addf %mul3A_75, %add3A_77 : vector<16xf32>
    %sub3A = arith.constant 0x4B400000 : f32
    %sub3A_79 = vector.broadcast %sub3A : f32 to vector<16xf32>
    %sub3A_80 = arith.subf %add3A_78, %sub3A_79 : vector<16xf32>
    %div3A_81 = arith.constant 1.000000e+04 : f32
    %div3A_82 = vector.broadcast %div3A_81 : f32 to vector<16xf32>
    %div3A_83 = arith.divf %sub3A_80, %div3A_82 : vector<16xf32>
    %swap3A = arith.constant 480 : index
    %swap3A_84 = tpu.vector_load %arg12[%swap3A] {strides = array<i32>} : memref<512xf32, #tpu.memory_space<vmem>>, vector<16xf32>,
    %swap3A_85 = vector.shape_cast %swap3A_84 : vector<16xf32> to vector<16xf32>
    %swap3A_86 = vector.shape_cast %div3A_83 : vector<16xf32> to vector<16xf32>
    tpu.vector_store %arg12[%swap3A], %swap3A_86 {strides = array<i32>} : memref<512xf32, #tpu.memory_space<vmem>>, vector<16xf32>,
    %dma_wait3A_87 = arith.constant 0 : i32
    %dma_wait3A_88 = tpu.memref_slice %arg10[%dma_wait3A_87] : memref<3200xf32, #tpu.memory_space<vmem>> -> memref<3200xf32, #tpu.memory_space<vmem>>
    %dma_wait3A_89 = arith.constant 0 : i32
    %dma_wait3A_90 = tpu.memref_slice %arg8[%dma_wait3A_89] : memref<3200xi32, #tpu.memory_space<vmem>> -> memref<3200xi32, #tpu.memory_space<vmem>>
    %dma_wait3A_91 = arith.constant 0 : i32
    %dma_wait3A_92 = tpu.memref_slice %arg13[%dma_wait3A_91] : memref<1000000xf32, #tpu.memory_space<vmem_shared>> -> memref<1000000xf32, #tpu.memory_space<vmem_shared>>
    tpu.wait_indirect_dma semaphore(%arg15 : memref<!tpu.dma_semaphore, #tpu.memory_space<semaphore_mem>>) src(%dma_wait3A_92 : memref<1000000xf32, #tpu.memory_space<vmem_shared>>) dst(%dma_wait3A_88 : memref<3200xf32, #tpu.memory_space<vmem>>)
    %broadcast_in_dim3A_93 = arith.constant 0.000000e+00 : f32
    %broadcast_in_dim3A_94 = vector.broadcast %broadcast_in_dim3A_93 : f32 to vector<16xf32>
    %scan3A_95 = arith.constant 0 : i32
    %scan3A_96 = arith.constant 25 : i32
    %scan3A_97 = arith.addi %scan3A_95, %scan3A_96 : i32
    %scan3A_98 = arith.constant 1 : i32
    %scan3A_99:4 = scf.for %scan3A_134 = %scan3A_95 to %scan3A_97 step %scan3A_98 iter_args(%scan3A_135 = %broadcast_in_dim3A_94, %scan3A_136 = %broadcast_in_dim3A_94, %scan3A_137 = %broadcast_in_dim3A_94, %scan3A_138 = %broadcast_in_dim3A_94) -> (vector<16xf32>, vector<16xf32>, vector<16xf32>, vector<16xf32>)  : i32 {
      %mul3A_139 = arith.constant 128 : i32
      %mul3A_140 = arith.muli %scan3A_134, %mul3A_139 : i32
      %get3A_141 = arith.index_cast %mul3A_140 : i32 to index
      %get3A_142 = tpu.vector_load %arg10[%get3A_141] {strides = array<i32>} : memref<3200xf32, #tpu.memory_space<vmem>>, vector<16xf32>,
      %get3A_143 = vector.shape_cast %get3A_142 : vector<16xf32> to vector<16xf32>
      %add3A_144 = arith.addf %scan3A_135, %get3A_143 : vector<16xf32>
      %add3A_145 = arith.constant 16 : i32
      %add3A_146 = arith.addi %mul3A_140, %add3A_145 : i32
      %get3A_147 = arith.index_cast %add3A_146 : i32 to index
      %get3A_148 = tpu.vector_load %arg10[%get3A_147] {strides = array<i32>} : memref<3200xf32, #tpu.memory_space<vmem>>, vector<16xf32>,
      %get3A_149 = vector.shape_cast %get3A_148 : vector<16xf32> to vector<16xf32>
      %add3A_150 = arith.addf %scan3A_136, %get3A_149 : vector<16xf32>
      %add3A_151 = arith.constant 32 : i32
      %add3A_152 = arith.addi %mul3A_140, %add3A_151 : i32
      %get3A_153 = arith.index_cast %add3A_152 : i32 to index
      %get3A_154 = tpu.vector_load %arg10[%get3A_153] {strides = array<i32>} : memref<3200xf32, #tpu.memory_space<vmem>>, vector<16xf32>,
      %get3A_155 = vector.shape_cast %get3A_154 : vector<16xf32> to vector<16xf32>
      %add3A_156 = arith.addf %scan3A_137, %get3A_155 : vector<16xf32>
      %add3A_157 = arith.constant 48 : i32
      %add3A_158 = arith.addi %mul3A_140, %add3A_157 : i32
      %get3A_159 = arith.index_cast %add3A_158 : i32 to index
      %get3A_160 = tpu.vector_load %arg10[%get3A_159] {strides = array<i32>} : memref<3200xf32, #tpu.memory_space<vmem>>, vector<16xf32>,
      %get3A_161 = vector.shape_cast %get3A_160 : vector<16xf32> to vector<16xf32>
      %add3A_162 = arith.addf %scan3A_138, %get3A_161 : vector<16xf32>
      %add3A_163 = arith.constant 64 : i32
      %add3A_164 = arith.addi %mul3A_140, %add3A_163 : i32
      %get3A_165 = arith.index_cast %add3A_164 : i32 to index
      %get3A_166 = tpu.vector_load %arg10[%get3A_165] {strides = array<i32>} : memref<3200xf32, #tpu.memory_space<vmem>>, vector<16xf32>,
      %get3A_167 = vector.shape_cast %get3A_166 : vector<16xf32> to vector<16xf32>
      %add3A_168 = arith.addf %add3A_144, %get3A_167 : vector<16xf32>
      %add3A_169 = arith.constant 80 : i32
      %add3A_170 = arith.addi %mul3A_140, %add3A_169 : i32
      %get3A_171 = arith.index_cast %add3A_170 : i32 to index
      %get3A_172 = tpu.vector_load %arg10[%get3A_171] {strides = array<i32>} : memref<3200xf32, #tpu.memory_space<vmem>>, vector<16xf32>,
      %get3A_173 = vector.shape_cast %get3A_172 : vector<16xf32> to vector<16xf32>
      %add3A_174 = arith.addf %add3A_150, %get3A_173 : vector<16xf32>
      %add3A_175 = arith.constant 96 : i32
      %add3A_176 = arith.addi %mul3A_140, %add3A_175 : i32
      %get3A_177 = arith.index_cast %add3A_176 : i32 to index
      %get3A_178 = tpu.vector_load %arg10[%get3A_177] {strides = array<i32>} : memref<3200xf32, #tpu.memory_space<vmem>>, vector<16xf32>,
      %get3A_179 = vector.shape_cast %get3A_178 : vector<16xf32> to vector<16xf32>
      %add3A_180 = arith.addf %add3A_156, %get3A_179 : vector<16xf32>
      %add3A_181 = arith.constant 112 : i32
      %add3A_182 = arith.addi %mul3A_140, %add3A_181 : i32
      %get3A_183 = arith.index_cast %add3A_182 : i32 to index
      %get3A_184 = tpu.vector_load %arg10[%get3A_183] {strides = array<i32>} : memref<3200xf32, #tpu.memory_space<vmem>>, vector<16xf32>,
      %get3A_185 = vector.shape_cast %get3A_184 : vector<16xf32> to vector<16xf32>
      %add3A_186 = arith.addf %add3A_162, %get3A_185 : vector<16xf32>
      scf.yield %add3A_168, %add3A_174, %add3A_180, %add3A_186 : vector<16xf32>, vector<16xf32>, vector<16xf32>, vector<16xf32>
    }
    %scan3A_100 = arith.constant 25 : i32
    %add3A_101 = arith.addf %scan3A_99#0, %scan3A_99#1 : vector<16xf32>
    %add3A_102 = arith.addf %scan3A_99#2, %scan3A_99#3 : vector<16xf32>
    %add3A_103 = arith.addf %add3A_101, %add3A_102 : vector<16xf32>
    %mul3A_104 = arith.constant 5.000000e-03 : f32
    %mul3A_105 = vector.broadcast %mul3A_104 : f32 to vector<16xf32>
    %mul3A_106 = arith.mulf %add3A_103, %mul3A_105 : vector<16xf32>
    %add3A_107 = arith.addf %mul3A_106, %get3A_6 : vector<16xf32>
    %neg3A_108 = arith.constant 0.000000e+00 : f32
    %neg3A_109 = vector.broadcast %neg3A_108 : f32 to vector<16xf32>
    %neg3A_110 = arith.subf %neg3A_109, %add3A_107 : vector<16xf32>
    %exp3A_111 = math.exp %neg3A_110 : vector<16xf32>
    %add3A_112 = arith.constant 1.000000e+00 : f32
    %add3A_113 = vector.broadcast %add3A_112 : f32 to vector<16xf32>
    %add3A_114 = arith.addf %add3A_113, %exp3A_111 : vector<16xf32>
    %div3A_115 = arith.constant 1.000000e+00 : f32
    %div3A_116 = vector.broadcast %div3A_115 : f32 to vector<16xf32>
    %div3A_117 = arith.divf %div3A_116, %add3A_114 : vector<16xf32>
    %mul3A_118 = arith.constant 1.000000e+04 : f32
    %mul3A_119 = vector.broadcast %mul3A_118 : f32 to vector<16xf32>
    %mul3A_120 = arith.mulf %div3A_117, %mul3A_119 : vector<16xf32>
    %add3A_121 = arith.constant 0x4B400000 : f32
    %add3A_122 = vector.broadcast %add3A_121 : f32 to vector<16xf32>
    %add3A_123 = arith.addf %mul3A_120, %add3A_122 : vector<16xf32>
    %sub3A_124 = arith.constant 0x4B400000 : f32
    %sub3A_125 = vector.broadcast %sub3A_124 : f32 to vector<16xf32>
    %sub3A_126 = arith.subf %add3A_123, %sub3A_125 : vector<16xf32>
    %div3A_127 = arith.constant 1.000000e+04 : f32
    %div3A_128 = vector.broadcast %div3A_127 : f32 to vector<16xf32>
    %div3A_129 = arith.divf %sub3A_126, %div3A_128 : vector<16xf32>
    %swap3A_130 = arith.constant 496 : index
    %swap3A_131 = tpu.vector_load %arg12[%swap3A_130] {strides = array<i32>} : memref<512xf32, #tpu.memory_space<vmem>>, vector<16xf32>,
    %swap3A_132 = vector.shape_cast %swap3A_131 : vector<16xf32> to vector<16xf32>
    %swap3A_133 = vector.shape_cast %div3A_129 : vector<16xf32> to vector<16xf32>
    tpu.vector_store %arg12[%swap3A_130], %swap3A_133 {strides = array<i32>} : memref<512xf32, #tpu.memory_space<vmem>>, vector<16xf32>,
    "tpu.region"() ({
      %run_scoped3A = tpu.sem_alloc : memref<!tpu.dma_semaphore, #tpu.memory_space<semaphore_mem>>
      %dma_start3A_134 = tpu.memref_slice %arg5[%mul3A_2] : memref<16384xf32, #tpu.memory_space<hbm>> -> memref<512xf32, #tpu.memory_space<hbm>>
      %dma_start3A_135 = tpu.memref_slice %arg5[%mul3A_2] : memref<16384xf32, #tpu.memory_space<hbm>> -> memref<512xf32, #tpu.memory_space<hbm>>
      tpu.enqueue_dma source(%arg12 : memref<512xf32, #tpu.memory_space<vmem>>) target(%dma_start3A_135 : memref<512xf32, #tpu.memory_space<hbm>>) target_semaphore(%run_scoped3A : memref<!tpu.dma_semaphore, #tpu.memory_space<semaphore_mem>>)
      %dma_wait3A_136 = tpu.memref_slice %arg5[%mul3A_2] : memref<16384xf32, #tpu.memory_space<hbm>> -> memref<512xf32, #tpu.memory_space<hbm>>
      %dma_wait3A_137 = tpu.memref_slice %arg5[%mul3A_2] : memref<16384xf32, #tpu.memory_space<hbm>> -> memref<512xf32, #tpu.memory_space<hbm>>
      tpu.wait_dma2 semaphore(%run_scoped3A : memref<!tpu.dma_semaphore, #tpu.memory_space<semaphore_mem>>) src(%arg12 : memref<512xf32, #tpu.memory_space<vmem>>) dst(%dma_wait3A_137 : memref<512xf32, #tpu.memory_space<hbm>>)
      tpu.yield
    }) : () -> ()
    return
  }
}

module attributes {stable_mosaic.version = 14 : i64} {
  func.func @_ew_body(%arg0: i32, %arg1: memref<16x4096xf32, #tpu.memory_space<vmem>>, %arg2: memref<16x1xf32, #tpu.memory_space<vmem>>, %arg3: memref<4096xf32, #tpu.memory_space<vmem>>) attributes {dimension_semantics = [#tpu.dimension_semantics<arbitrary>], iteration_bounds = array<i64: 245>, scalar_prefetch = 0 : i64, scratch_operands = 0 : i64, tpu.core_type = #tpu.core_type<tc>, window_params = [{transform_indices = @transform_0, window_bounds = array<i64: 16, 4096>}, {pipeline_mode = #tpu.pipeline_mode<synchronous>, transform_indices = @transform_1, window_bounds = array<i64: 16, 1>}, {transform_indices = @transform_2, window_bounds = array<i64: 4096>}]} {
    %get3A = arith.constant 0 : index
    %get3A_0 = arith.constant 0 : index
    %get3A_1 = vector.load %arg1[%get3A, %get3A_0] : memref<16x4096xf32, #tpu.memory_space<vmem>>, vector<16x4096xf32>
    %get3A_2 = arith.constant 0 : index
    %get3A_3 = arith.constant 0 : index
    %get3A_4 = vector.load %arg2[%get3A_2, %get3A_3] : memref<16x1xf32, #tpu.memory_space<vmem>>, vector<16x1xf32>
    %mul3A = vector.broadcast %get3A_4 : vector<16x1xf32> to vector<16x4096xf32>
    %mul3A_5 = arith.mulf %get3A_1, %mul3A : vector<16x4096xf32>
    %reduce_sum3A = arith.constant dense<0.000000e+00> : vector<4096xf32>
    %reduce_sum3A_6 = vector.multi_reduction <add>, %mul3A_5, %reduce_sum3A [0] : vector<16x4096xf32> to vector<4096xf32>
    %swap3A = arith.constant 0 : index
    %swap3A_7 = vector.load %arg3[%swap3A] : memref<4096xf32, #tpu.memory_space<vmem>>, vector<4096xf32>
    tpu.vector_store %arg3[%swap3A], %reduce_sum3A_6 {strides = array<i32>} : memref<4096xf32, #tpu.memory_space<vmem>>, vector<4096xf32>,
    return
  }
  func.func @transform_0(%arg0: i32) -> (i32, i32) {
    %c0_i32 = arith.constant 0 : i32
    %c0_i32_0 = arith.constant 0 : i32
    return %c0_i32, %arg0 : i32, i32
  }
  func.func @transform_1(%arg0: i32) -> (i32, i32) {
    %c0_i32 = arith.constant 0 : i32
    %c0_i32_0 = arith.constant 0 : i32
    %c0_i32_1 = arith.constant 0 : i32
    return %c0_i32, %c0_i32_0 : i32, i32
  }
  func.func @transform_2(%arg0: i32) -> i32 {
    %c0_i32 = arith.constant 0 : i32
    return %arg0 : i32
  }
}

</mosaic_0001>

<sc_bundles>
// kernel: kernel.4.cloned.1.call-start
scs
__scs_entry_jumppad:
0x0: {  	(pc) =	sbr.rel $0x88, $3  }
0x1: {  	(tag) =	ssettag $0x0;
	lr =	simm.s32 $0x1  }
0x2: {  	[smem:$0x3F9D] =	sst lr;
	_ =	strace $0xD0000000  }
0x3: {  	_ = 	snop  }
0x4: {  	_ = 	snop  }
0x5: {  	_ = 	snop  }
0x6: {  	_ = 	snop  }
0x7: {  	_ = 	snop  }
__scs_overlays_trampoline_lowered:
0x8: {  	[smem:$0x3FAC] =	sst s0  }
0x9: {  	[smem:$0x3FAD] =	sst s1  }
0xa: {  	[smem:$0x3FAE] =	sst s2  }
0xb: {  	[smem:$0x3FAF] =	sst s3  }
0xc: {  	[smem:$0x3FB0] =	sst s4  }
0xd: {  	[smem:$0x3FB1] =	sst s5  }
0xe: {  	[smem:$0x3FB2] =	sst s6  }
0xf: {  	[smem:$0x3FB3] =	sst s7  }
0x10: {  	[smem:$0x3FB4] =	sst s8  }
0x11: {  	[smem:$0x3FB5] =	sst s9;
	s0 =	simm.s32 @!p0 $0x0  }
0x12: {  	s1 =	sld [smem:$0x3F9B];
	s0 =	simm.s32 @p0 $0x1  }
0x13: {  	[smem:$0x3FB6] =	sst s0;
	s0 =	simm.s32 @!p1 $0x0  }
0x14: {  	s2 =	sld [smem:$0x3F9A];
	s0 =	simm.s32 @p1 $0x1  }
0x15: {  	[smem:$0x3FB7] =	sst s0;
	s0 =	simm.s32 @!p2 $0x0  }
0x16: {  	s3 =	sld [smem:$0x3FDB];
	s0 =	simm.s32 @p2 $0x1  }
0x17: {  	s4 =	simm.s32 $0x1BF5;
	[smem:$0x3FB9] =	sst s0  }
0x18: {  	s0 =	sld [smem:$0x3F9C];
	_ =	swait.ge [sflag:s4], $0x0  }
0x19: {  	s7 =	sld [smem:$0x3F9D]  }
0x1a: {  	s8 =	sadd.s32 $0xFFFFE003, lr  }
0x1b: {  	s9 =	sadd.s32 $0xFFFFFEF7, lr;
	s5 =	simm.s32 $0xFFFFFFFF;
	p2 =	slt.u32 s8, $0xFFFFF086  }
0x1c: {  	p1 =	slt.u32 s9, $0xF7A;
	s5 =	simm.s32 @!p2 $0x0  }
0x1d: {  	s5 =	simm.s32 @p1 $0x1;
	p0 =	seq.s32 s7, s2  }
0x1e: {  	s7 =	smul.u32 @!p0 $0xF7A, s2;
	p2 =	seq.s32 @!p0 s5, $0x0  }
0x1f: {  	s9 =	smul.u32 $0xF7A, s1;
	s8 =	simm.s32 @!p0 $0x1BF5;
	p2 =	por !p2, p0  }
0x20: {  	[sflag:s8] =	ssyncset.s32 @!p0 $0xFFFFF086;
	s6 =	sadd.s32 @!p0 s3, s7;
	s7 =	simm.s32 @!p0 $0x108  }
0x21: {  	s3 =	sadd.s32 s3, s9;
	s6 =	sadd.s32 @!p0 $0x88, s6;
	s7 =	simm.s32 @p2 $0x1082  }
0x22: {  	[simem:s7], [sflag:s8] =	dma.local @!p0 [hbm:s6], $0xF7A  }
0x23: {  	s9 =	sor.u32 $0xD0000000, s2;
	s6 =	simm.s32 $0x108;
	_ =	swait.ge @!p0 [sflag:s8], $0x0  }
0x24: {  	s3 =	sadd.s32 $0x88, s3;
	s6 =	simm.s32 @!p1 $0x1082;
	[sflag:s4] =	ssyncset.s32 $0xFFFFF086  }
0x25: {  	[simem:s6], [sflag:s4] =	dma.local [hbm:s3], $0xF7A  }
0x26: {  	[smem:$0x3F9D] =	sst s1;
	(tag) =	ssettag s2;
	_ =	strace s9  }
0x27: {  	s1 =	sld [smem:$0x3FAD]  }
0x28: {  	s2 =	sld [smem:$0x3FAE]  }
0x29: {  	s4 =	sld [smem:$0x3FB0]  }
0x2a: {  	p0 =	seq.s32 s5, $0x0;
	s5 =	sld [smem:$0x3FB1]  }
0x2b: {  	s6 =	sld [smem:$0x3FB2]  }
0x2c: {  	s7 =	sld [smem:$0x3FB3]  }
0x2d: {  	s3 =	simm.s32 $0x108;
	s8 =	sld [smem:$0x3FB4]  }
0x2e: {  	s3 =	simm.s32 @!p0 $0x1082;
	s9 =	sld [smem:$0x3FB5]  }
0x2f: {  	lr =	sadd.s32 s0, s3;
	s0 =	sld [smem:$0x3FAC]  }
0x30: {  	s3 =	sld [smem:$0x3FAF]  }
0x31: {  	[smem:$0x3FB8] =	sst s10  }
0x32: {  	s10 =	sld [smem:$0x3FB6];
	_ =	sdelay $0x3  }
0x33: {  	p0 =	seq.s32 s10, $0x1;
	s10 =	sld [smem:$0x3FB8];
	_ =	sdelay $0x3  }
0x34: {  	[smem:$0x3FB8] =	sst s10  }
0x35: {  	s10 =	sld [smem:$0x3FB7];
	_ =	sdelay $0x3  }
0x36: {  	p1 =	seq.s32 s10, $0x1;
	s10 =	sld [smem:$0x3FB8];
	_ =	sdelay $0x3  }
0x37: {  	[smem:$0x3FB8] =	sst s10  }
0x38: {  	s10 =	sld [smem:$0x3FB9]  }
0x39: {  	_ = 	snop;
	(pc) =	sbr.ind lr, $3  }
0x3a: {  	_ = 	snop  }
0x3b: {  	_ = 	snop  }
0x3c: {  	p2 =	seq.s32 s10, $0x1;
	s10 =	sld [smem:$0x3FB8]  }
0x3d: {  	_ =	shalt  }
0x3e: {  	_ =	shalt  }
0x3f: {  	_ =	shalt  }
0x40: {  	_ =	shalt  }
0x41: {  	_ =	shalt  }
0x42: {  	_ =	shalt  }
0x43: {  	_ =	shalt  }
0x44: {  	_ =	shalt  }
0x45: {  	_ =	shalt  }
0x46: {  	_ =	shalt  }
0x47: {  	_ =	shalt  }
0x48: {  	_ =	shalt  }
0x49: {  	_ =	shalt  }
0x4a: {  	_ =	shalt  }
0x4b: {  	_ =	shalt  }
0x4c: {  	_ =	shalt  }
0x4d: {  	_ =	shalt  }
0x4e: {  	_ =	shalt  }
0x4f: {  	_ =	shalt  }
0x50: {  	_ =	shalt  }
0x51: {  	_ =	shalt  }
0x52: {  	_ =	shalt  }
0x53: {  	_ =	shalt  }
0x54: {  	_ =	shalt  }
0x55: {  	_ =	shalt  }
0x56: {  	_ =	shalt  }
0x57: {  	_ =	shalt  }
0x58: {  	_ =	shalt  }
0x59: {  	_ =	shalt  }
0x5a: {  	_ =	shalt  }
0x5b: {  	_ =	shalt  }
0x5c: {  	_ =	shalt  }
0x5d: {  	_ =	shalt  }
0x5e: {  	_ =	shalt  }
0x5f: {  	_ =	shalt  }
0x60: {  	_ =	shalt  }
0x61: {  	_ =	shalt  }
0x62: {  	_ =	shalt  }
0x63: {  	_ =	shalt  }
0x64: {  	_ =	shalt  }
0x65: {  	_ =	shalt  }
0x66: {  	_ =	shalt  }
0x67: {  	_ =	shalt  }
0x68: {  	_ =	shalt  }
0x69: {  	_ =	shalt  }
0x6a: {  	_ =	shalt  }
0x6b: {  	_ =	shalt  }
0x6c: {  	_ =	shalt  }
0x6d: {  	_ =	shalt  }
0x6e: {  	_ =	shalt  }
0x6f: {  	_ =	shalt  }
0x70: {  	_ =	shalt  }
0x71: {  	_ =	shalt  }
0x72: {  	_ =	shalt  }
0x73: {  	_ =	shalt  }
0x74: {  	_ =	shalt  }
0x75: {  	_ =	shalt  }
0x76: {  	_ =	shalt  }
0x77: {  	_ =	shalt  }
0x78: {  	_ =	shalt  }
0x79: {  	_ =	shalt  }
0x7a: {  	_ =	shalt  }
0x7b: {  	_ =	shalt  }
0x7c: {  	_ =	shalt  }
0x7d: {  	_ =	shalt  }
0x7e: {  	_ =	shalt  }
0x7f: {  	_ =	shalt  }
0x80: {  	_ =	shalt  }
0x81: {  	_ =	shalt  }
0x82: {  	_ =	shalt  }
0x83: {  	_ =	shalt  }
0x84: {  	_ =	shalt  }
0x85: {  	_ =	shalt  }
0x86: {  	_ =	shalt  }
0x87: {  	_ =	shalt  }
.Lfunc_end0:
.L_simem_size_0:
called_computation_lowered:
.L_overlay_start_0:
0x88: {  	s2 =	sld [smem:$0x3FD9]  }
0x89: {  	s3 =	sld [smem:$0x3FFE];
	_ =	sdelay $0x1  }
0x8a: {  	s1 =	srdreg.scid  }
0x8b: {  	s0 =	sand.u32 $0x1, s1  }
0x8c: {  	s17 =	sshll.u32 s0, $0xA;
	s2 =	sadd.s32 s3, s2  }
0x8d: {  	s2 =	sadd.s32 s2, s17  }
0x8e: {  	[smem:$0x3FC4] =	sst s2  }
0x8f: {  	_ = 	snop  }
0x90: {  	s2 =	sld [smem:$0x3FD0];
	(tm) =	ssettm $0x1  }
0x91: {  	s18 =	sld [smem:$0x3FFB];
	_ =	sdelay $0x3  }
0x92: {  	_ =	strace s18  }
0x93: {  	s3 =	sld [smem:$0x3FFC];
	_ =	sdelay $0x3  }
0x94: {  	_ =	strace s3  }
0x95: {  	s3 =	sld [smem:$0x3FFD];
	_ =	sdelay $0x3  }
0x96: {  	_ =	strace s3  }
0x97: {  	_ =	strace $0x8FFFFFFF  }
0x98: {  	s19 =	sld [smem:$0x3FDB];
	_ =	sdelay $0x1  }
0x99: {  	s4 =	simm.s32 $_scs_section_size  }
0x9a: {  	s5 =	simm.s32 $_size__tile_overlayer_lowered;
	s6 =	simm.s32 $_tile_overlayer_lowered  }
0x9b: {  	s22 =	simm.s32 $0x1BFF;
	s21 =	sshll.u32 s6, $0x1;
	s3 =	sadd.s32 s4, s19  }
0x9c: {  	s7 =	simm.s32 $0x0;
	s20 =	sshll.u32 s5, $0x1;
	s5 =	sadd.s32 s21, s3  }
0x9d: {  	[timem:s7], [sflag:s22] =	dma.local [hbm:s5], s20  }
0x9e: {  	_ =	swait.ge [sflag:s22], s20  }
0x9f: {  	s4 =	ssub.s32 $0x0, s20;
	[sflag:s22] =	ssyncset.done $0x0  }
0xa0: {  	[sflag:s22] =	ssyncadd.s32 s4;
	_ =	sdelay $0x1  }
0xa1: {  	s23 =	simm.s32 $0x1B8B  }
0xa2: {  	_ =	swait.ge [sflag:s23], $0x1  }
0xa3: {  	[sflag:s23] =	ssyncset.done $0x0  }
0xa4: {  	s25 =	simm.s32 $0x1B8E;
	s24 =	sld [smem:$0x3FFE];
	[sflag:s23] =	ssyncadd.s32 $0xFFFFFFFF  }
0xa5: {  	s26 =	simm.s32 $execute0_lowered;
	[smem:$0x3FD2] =	sst s25  }
0xa6: {  	s5 =	sshll.u32 s26, $0x1;
	_ =	strace $0x80000046;
	[dreg:$0x1] =	wrdreg $0xFFFFFFFF  }
0xa7: {  	s28 =	simm.s32 $_size_execute0_lowered;
	s3 =	sadd.s32 s3, s5;
	[dreg:$0x0] =	wrdreg $0x0  }
0xa8: {  	s5 =	sshll.u32 s28, $0x1;
	[dreg:$0x2] =	wrdreg s3  }
0xa9: {  	[dreg:$0x3] =	wrdreg s5  }
0xaa: {  	[dreg:$0x4] =	wrdreg $0xC0  }
0xab: {  	_ =	task [dreg:s7], $0x5FFFF  }
0xac: {  	[dreg:$0x1] =	wrdreg $0xFFFFFFFF  }
0xad: {  	[dreg:$0x0] =	wrdreg $0x60  }
0xae: {  	[dreg:$0x2] =	wrdreg s24  }
0xaf: {  	[dreg:$0x3] =	wrdreg s2  }
0xb0: {  	[dreg:$0x4] =	wrdreg $0x40900  }
0xb1: {  	[dreg:$0x5] =	wrdreg $0x9  }
0xb2: {  	_ =	task.clear_ibuf [dreg:s7], $0x6FFFF;
	_ =	strace $0x90000046  }
0xb3: {  	s29 =	simm.s32 $0x9;
	_ =	strace $0x80000048  }
0xb4: {  	_ =	swait.ge [sflag:s29], $0x1  }
0xb5: {  	[sflag:s29] =	ssyncadd.s32 $0xFFFFFFFF  }
0xb6: {  	_ =	strace $0x90000048  }
0xb7: {  	_ =	sfence  }
0xb8: {  	s30 =	sld [smem:$0x0];
	_ =	sdelay $0x2  }
0xb9: {  	s31 =	sshll.u32 s1, $0xD;
	s1 =	sshrl.u32 s1, $0x2  }
0xba: {  	s3 =	sand.u32 $0x4000, s31;
	s1 =	sadd.s32 s1, s30  }
0xbb: {  	s0 =	sor.u32 s3, s0;
	s1 =	sshll.u32 s1, $0x11  }
0xbc: {  	s0 =	sor.u32 s1, s0  }
0xbd: {  	s0 =	sadd.s32 $0x8F2B, s0  }
0xbe: {  	[sflag:s0] =	ssyncadd.remote.s32 $0x1  }
0xbf: {  	_ =	sfence.sel $0xFFFF  }
0xc0: {  	[dreg:$0x0] =	wrdreg $0xFFFFFFFF;
	(pc) =	sbr.abs _section_cstart, $3  }
0xc1: {  	[dreg:$0x1] =	wrdreg $0xFFFFFFFF  }
0xc2: {  	_ =	task.clear_ibuf [dreg:s7], $0x2FFFF;
	_ =	strace $0x9FFFFFFF  }
0xc3: {  	(tm) =	ssettm $0x7FFFFFFF  }
tec
execute0_lowered:
.L_overlay_start_1:
0x0: {  	(tag) =	ssettag $0x1  }
0x1: {  	s0 =	rddreg [dreg:$0x0]  }
0x2: {  	s10 =	rddreg [dreg:$0x1]  }
0x3: {  	s1 =	rddreg [dreg:$0x2];
	s2 =	simm.s32 $0x0;
	s3 =	srdreg.scid  }
0x4: {  	s11 =	stileid.u32;
	[smem:$0x7FF] =	sst s2  }
0x5: {  	v0 =	vimm.f32 $1.000000000e+04;
	s13 =	simm.s32 $0x3E80;
	s14 =	simm.s32 $0x4;
	_ =	strace $0x80000047  }
0x6: {  	s15 =	simm.s32 $0x10;
	s16 =	simm.s32 $0x4000;
	s17 =	simm.s32 $0xC80;
	(erf) = vrcp.f32 v0  }
0x7: {  	s18 =	simm.s32 $0x2580;
	s19 =	simm.s32 $0x3;
	s20 =	simm.s32 $0x1900  }
0x8: {  	s21 =	simm.s32 $0x3200;
	s22 =	simm.s32 $0x1;
	s23 =	simm.s32 $0x2  }
0x9: {  	s24 =	simm.s32 $0x3E90;
	s25 =	simm.s32 $0x0;
	s5 =	sand.u32 $0x1, s3  }
0xa: {  	s6 =	sshll.u32 s11, $0x9;
	s3 =	sadd.s32 $0x600, s0;
	p0 =	sne.s32 s11, $0x0  }
0xb: {  	s4 =	sshll.u32 s5, $0xD;
	s7 =	ssub.s32 $0x2, s5;
	s5 =	sadd.s32 $0x83000, s0  }
0xc: {  	s9 =	sor.u32 s6, s4;
	s4 =	sadd.s32 $0x64600, s0;
	s31 =	sshrl.u32 s7, $0x1  }
0xd: {  	s12 =	sshrl.u32 s9, $0x3;
	s0 =	ssub.s32 s7, s31;
	s8 =	sor.u32 $0x20, s9  }
0xe: {  	s9 =	sor.u32 $0x30, s9;
	s6 =	sadd.s32 s3, s12;
	s10 =	sadd.s32 s10, s12  }
0xf: {  	s11 =	smax.u32 s0, $0x1;
	s12 =	sshrl.u32 @!p0 s1, $0x3;
	s7 =	sadd.s32 $0x2, s6;
	v0 =	vpop (erf)  }
.LBB2_1:
0x10: {  	s0 =	simm.s32 @!p0 $0x1C04  }
0x11: {  	[spmem:s12], [sflag:s0] =	dma.local @!p0 [hbm:s4], $0x1E848  }
0x12: {  	s0 =	simm.s32 @!p0 $0x4  }
0x13: {  	_ =	swait.ge @!p0 [sflag:s0], $0x1E848  }
0x14: {  	[sflag:s0] =	ssyncset.done @!p0 $0x0  }
0x15: {  	[sflag:s0] =	ssyncadd.s32 @!p0 $0xFFFE17B8  }
0x16: {  	[tilespmem:s13], [sflag:$0x4] =	stream.linear.gather [hbm4b:s5+s2], $0x10, $0x38;
	[tilespmem:$0x134B8] =	vst v63  }
0x17: {  	_ =	swait.ge [sflag:s14], $0x10  }
0x18: {  	[sflag:s14] =	ssyncset.done $0x0  }
0x19: {  	[sflag:s14] =	ssyncadd.s32 $0xFFFFFFF0  }
0x1a: {  	v1 =	vld [tilespmem:$0x3E80];
	[bflag:$0x0] =	sbarrier.arrive $0xFFFF  }
0x1b: {  	[tilespmem:s2], [sflag:$0x4] =	stream.strided.gather [hbm4b:s6+s15], $0xC80, s16, s15, $0x38;
	[tilespmem:$0x134B8] =	vst v63  }
0x1c: {  	_ =	swait.ge [sflag:s14], $0xC80  }
0x1d: {  	[sflag:s14] =	ssyncset.done $0x0  }
0x1e: {  	s26 =	simm.s32 $0x0;
	[sflag:s14] =	ssyncadd.s32 $0xFFFFF380  }
0x1f: {  	v5 =	vld [tilespmem:s26+$0x70]  }
0x20: {  	v6 =	vld [tilespmem:s26+$0x0]  }
0x21: {  	v7 =	vld [tilespmem:s26+$0x10]  }
0x22: {  	v4 =	vld [tilespmem:s26+$0x20]  }
0x23: {  	v2 =	vld [tilespmem:s26+$0x30]  }
0x24: {  	v3 =	vld [tilespmem:s26+$0x40];
	[tilespmem:s26+$0xCF0] =	vst v5  }
0x25: {  	[tilespmem:s26+$0xC80] =	vst v6;
	v5 =	vld [tilespmem:s26+$0x50]  }
0x26: {  	s28 =	simm.s32 $0x80;
	s29 =	simm.s32 $0x400;
	[tilespmem:s26+$0xC90] =	vst v7;
	v6 =	vld [tilespmem:s26+$0x60]  }
.LBB2_2:
0x27: {  	p1 =	sne.s32 s29, $0x3000;
	v7 =	vld [tilespmem:s28+$0x70];
	[tilespmem:s26+$0xCA0] =	vst v4  }
0x28: {  	v8 =	vld [tilespmem:s28+$0x0];
	[tilespmem:s26+$0xCB0] =	vst v2  }
0x29: {  	v9 =	vld [tilespmem:s28+$0x10];
	[tilespmem:s26+$0xCC0] =	vst v3  }
.Ltmp0:
0x2a: {  	v4 =	vld [tilespmem:s28+$0x20];
	[tilespmem:s26+$0xCD0] =	vst v5;
	(pc) =	sbr.rel @p1 .LBB2_2-.Ltmp0, $4  }
0x2b: {  	v2 =	vld [tilespmem:s28+$0x30];
	[tilespmem:s26+$0xCE0] =	vst v6;
	s26 =	smov.u32 s28  }
0x2c: {  	v3 =	vld [tilespmem:s26+$0x40];
	[tilespmem:s26+$0xCF0] =	vst v7  }
0x2d: {  	[tilespmem:s26+$0xC80] =	vst v8;
	v5 =	vld [tilespmem:s26+$0x50]  }
0x2e: {  	s28 =	sshra.s32 s29, $0x2;
	s29 =	sadd.s32 $0x200, s29;
	[tilespmem:s26+$0xC90] =	vst v9;
	v6 =	vld [tilespmem:s26+$0x60]  }
0x2f: {  	v7 =	vld [tilespmem:s28+$0x70];
	[tilespmem:s26+$0xCA0] =	vst v4  }
0x30: {  	v4 =	vld [tilespmem:s28+$0x0];
	[tilespmem:s26+$0xCB0] =	vst v2  }
0x31: {  	v2 =	vld [tilespmem:s28+$0x10];
	[tilespmem:s26+$0xCC0] =	vst v3  }
0x32: {  	v3 =	vld [tilespmem:s28+$0x20];
	[tilespmem:s26+$0xCD0] =	vst v5  }
0x33: {  	v5 =	vld [tilespmem:s28+$0x30];
	[tilespmem:s26+$0xCE0] =	vst v6  }
0x34: {  	v6 =	vld [tilespmem:s28+$0x40];
	[tilespmem:s28+$0xCF0] =	vst v7  }
0x35: {  	v63 =	vld [tilespmem:s28+$0x50];
	[tilespmem:s28+$0xC80] =	vst v4  }
0x36: {  	[tilespmem:s28+$0xC90] =	vst v2;
	v2 =	vld [tilespmem:s28+$0x60]  }
0x37: {  	[tilespmem:s28+$0xCA0] =	vst v3  }
0x38: {  	[tilespmem:s28+$0xCB0] =	vst v5  }
0x39: {  	[tilespmem:s28+$0xCC0] =	vst v6  }
0x3a: {  	[tilespmem:s28+$0xCD0] =	vst v63  }
0x3b: {  	[tilespmem:s28+$0xCE0] =	vst v2  }
0x3c: {  	[tilespmem:s18], [sflag:$0x1] =	stream.indirect.gather [spmem:s1], $0x1, s17, s17, $0xb8;
	[tilespmem:$0x134B8] =	vst v63  }
0x3d: {  	s26 =	simm.s32 $0x0  }
0x3e: {  	[tilespmem:s26], [sflag:$0x3] =	stream.strided.gather [hbm4b:s7+s15], $0xC80, s16, s15, $0x38;
	[tilespmem:$0x134B8] =	vst v63  }
.LBB2_4:
0x3f: {  	_ =	swait.ge [sflag:s19], $0xC80  }
0x40: {  	[sflag:s19] =	ssyncset.done $0x0  }
0x41: {  	s28 =	simm.s32 $0x0;
	[sflag:s19] =	ssyncadd.s32 $0xFFFFF380  }
0x42: {  	v5 =	vld [tilespmem:s28+$0x70]  }
0x43: {  	v6 =	vld [tilespmem:s28+$0x0]  }
0x44: {  	v7 =	vld [tilespmem:s28+$0x10]  }
0x45: {  	v4 =	vld [tilespmem:s28+$0x20]  }
0x46: {  	v2 =	vld [tilespmem:s28+$0x30]  }
0x47: {  	v3 =	vld [tilespmem:s28+$0x40];
	[tilespmem:s28+$0x1970] =	vst v5  }
0x48: {  	[tilespmem:s28+$0x1900] =	vst v6;
	v5 =	vld [tilespmem:s28+$0x50]  }
0x49: {  	s29 =	simm.s32 $0x80;
	s30 =	simm.s32 $0x400;
	[tilespmem:s28+$0x1910] =	vst v7;
	v6 =	vld [tilespmem:s28+$0x60]  }
.LBB2_5:
0x4a: {  	p1 =	sne.s32 s30, $0x3000;
	v7 =	vld [tilespmem:s29+$0x70];
	[tilespmem:s28+$0x1920] =	vst v4  }
0x4b: {  	v8 =	vld [tilespmem:s29+$0x0];
	[tilespmem:s28+$0x1930] =	vst v2  }
0x4c: {  	v9 =	vld [tilespmem:s29+$0x10];
	[tilespmem:s28+$0x1940] =	vst v3  }
.Ltmp1:
0x4d: {  	v4 =	vld [tilespmem:s29+$0x20];
	[tilespmem:s28+$0x1950] =	vst v5;
	(pc) =	sbr.rel @p1 .LBB2_5-.Ltmp1, $4  }
0x4e: {  	v2 =	vld [tilespmem:s29+$0x30];
	[tilespmem:s28+$0x1960] =	vst v6;
	s28 =	smov.u32 s29  }
0x4f: {  	v3 =	vld [tilespmem:s28+$0x40];
	[tilespmem:s28+$0x1970] =	vst v7  }
0x50: {  	[tilespmem:s28+$0x1900] =	vst v8;
	v5 =	vld [tilespmem:s28+$0x50]  }
0x51: {  	s29 =	sshra.s32 s30, $0x2;
	s30 =	sadd.s32 $0x200, s30;
	[tilespmem:s28+$0x1910] =	vst v9;
	v6 =	vld [tilespmem:s28+$0x60]  }
0x52: {  	v7 =	vld [tilespmem:s29+$0x70];
	[tilespmem:s28+$0x1920] =	vst v4  }
0x53: {  	v4 =	vld [tilespmem:s29+$0x0];
	[tilespmem:s28+$0x1930] =	vst v2  }
0x54: {  	v2 =	vld [tilespmem:s29+$0x10];
	[tilespmem:s28+$0x1940] =	vst v3  }
0x55: {  	v3 =	vld [tilespmem:s29+$0x20];
	[tilespmem:s28+$0x1950] =	vst v5  }
0x56: {  	v5 =	vld [tilespmem:s29+$0x30];
	[tilespmem:s28+$0x1960] =	vst v6  }
0x57: {  	v6 =	vld [tilespmem:s29+$0x40];
	[tilespmem:s29+$0x1970] =	vst v7  }
0x58: {  	[tilespmem:s29+$0x1900] =	vst v4;
	v4 =	vld [tilespmem:s29+$0x50]  }
0x59: {  	[tilespmem:s29+$0x1910] =	vst v2;
	v2 =	vld [tilespmem:s29+$0x60]  }
0x5a: {  	[tilespmem:s29+$0x1920] =	vst v3  }
0x5b: {  	[tilespmem:s29+$0x1930] =	vst v5  }
0x5c: {  	[tilespmem:s29+$0x1940] =	vst v6  }
0x5d: {  	[tilespmem:s29+$0x1950] =	vst v4  }
0x5e: {  	[tilespmem:s29+$0x1960] =	vst v2;
	s29 =	sshll.u32 s26, $0x5  }
0x5f: {  	[tilespmem:s21], [sflag:$0x2] =	stream.indirect.gather [spmem:s1], $0x1, s20, s17, $0xb8;
	[tilespmem:$0x134B8] =	vst v63  }
0x60: {  	s0 =	sadd.s32 s29, s8  }
0x61: {  	s0 =	sshrl.u32 s0, $0x3  }
0x62: {  	s28 =	simm.s32 $0x0;
	s0 =	sadd.s32 s3, s0  }
0x63: {  	[tilespmem:s28], [sflag:$0x3] =	stream.strided.gather [hbm4b:s0+s15], $0xC80, s16, s15, $0x38;
	[tilespmem:$0x134B8] =	vst v63  }
0x64: {  	_ =	swait.ge [sflag:s22], $0xC80  }
0x65: {  	[sflag:s22] =	ssyncset.done $0x0  }
0x66: {  	s28 =	simm.s32 $0x0;
	[sflag:s22] =	ssyncadd.s32 $0xFFFFF380  }
0x67: {  	v3 =	vld [tilespmem:s28+$0x25C0]  }
0x68: {  	v2 =	vld [tilespmem:s28+$0x25D0]  }
0x69: {  	v4 =	vld [tilespmem:s28+$0x2580]  }
0x6a: {  	v8 =	vimm.f32 $0.0e+00;
	v5 =	vld [tilespmem:s28+$0x2590]  }
0x6b: {  	s30 =	simm.s32 $0x200;
	v9 =	vimm.f32 $0.0e+00;
	v10 =	vimm.f32 $0.0e+00;
	v7 =	vimm.f32 $0.0e+00;
	v6 =	vld [tilespmem:s28+$0x25A0]  }
.LBB2_7:
0x6c: {  	p1 =	sne.s32 s30, $0x3000;
	v11 =	vld [tilespmem:s28+$0x25B0];
	v12 =	vmov v3  }
0x6d: {  	v13 =	vld [tilespmem:s28+$0x25E0];
	v14 =	vmov v2  }
0x6e: {  	v15 =	vld [tilespmem:s28+$0x25F0];
	s28 =	sshra.s32 s30, $0x2  }
.Ltmp2:
0x6f: {  	v3 =	vld [tilespmem:s28+$0x25C0];
	(pc) =	sbr.rel @p1 .LBB2_7-.Ltmp2, $4  }
0x70: {  	v7 =	vadd.f32 v4, v7;
	v8 =	vadd.f32 v5, v8;
	v2 =	vld [tilespmem:s28+$0x25D0]  }
0x71: {  	v9 =	vadd.f32 v6, v9;
	v4 =	vld [tilespmem:s28+$0x2580];
	v10 =	vadd.f32 v11, v10  }
0x72: {  	v7 =	vadd.f32 v12, v7;
	v8 =	vadd.f32 v14, v8;
	v5 =	vld [tilespmem:s28+$0x2590]  }
0x73: {  	s30 =	sadd.s32 $0x200, s30;
	v9 =	vadd.f32 v13, v9;
	v6 =	vld [tilespmem:s28+$0x25A0];
	v10 =	vadd.f32 v15, v10  }
0x74: {  	v11 =	vld [tilespmem:s28+$0x25B0]  }
0x75: {  	v12 =	vld [tilespmem:s28+$0x25E0]  }
0x76: {  	v13 =	vld [tilespmem:s28+$0x25F0];
	_ =	sdelay $0x1  }
0x77: {  	v4 =	vadd.f32 v4, v7;
	v5 =	vadd.f32 v5, v8  }
0x78: {  	v6 =	vadd.f32 v6, v9;
	v7 =	vadd.f32 v11, v10  }
0x79: {  	v3 =	vadd.f32 v3, v4;
	v2 =	vadd.f32 v2, v5  }
0x7a: {  	v4 =	vadd.f32 v12, v6;
	v5 =	vadd.f32 v13, v7;
	_ =	sdelay $0x1  }
0x7b: {  	v2 =	vadd.f32 v2, v3;
	v3 =	vadd.f32 v5, v4;
	_ =	sdelay $0x1  }
0x7c: {  	v2 =	vadd.f32 v3, v2;
	_ =	sdelay $0x1  }
0x7d: {  	v2 =	vmul.f32 $4.999999890e-03, v2;
	_ =	sdelay $0x1  }
0x7e: {  	v2 =	vadd.f32 v2, v1;
	_ =	sdelay $0x1  }
0x7f: {  	v2 =	vsub.f32 $0.0e+00, v2;
	_ =	sdelay $0x1  }
0x80: {  	v2 =	vmul.f32 $1.442695020e+00, v2;
	_ =	sdelay $0x1  }
0x81: {  	(erf) = vpow2.f32 v2;
	_ =	sdelay $0x8  }
0x82: {  	v2 =	vpop (erf)  }
0x83: {  	v2 =	vadd.f32 $1.000000000e+00, v2;
	_ =	sdelay $0x1  }
0x84: {  	(erf) = vrcp.f32 v2;
	_ =	sdelay $0x8  }
0x85: {  	v2 =	vpop (erf)  }
0x86: {  	v2 =	vmul.f32 $1.000000000e+04, v2;
	_ =	sdelay $0x1  }
0x87: {  	v2 =	vadd.f32 $1.258291200e+07, v2;
	_ =	sdelay $0x1  }
0x88: {  	v2 =	vadd.f32 $-1.258291200e+07, v2;
	_ =	sdelay $0x1  }
0x89: {  	v2 =	vmul.f32 v2, v0  }
0x8a: {  	s28 =	sand.u32 $0x3FFFFFE0, s29  }
0x8b: {  	[tilespmem:s28+$0x3E90] =	vst v2  }
0x8c: {  	_ =	swait.ge [sflag:s19], $0xC80  }
0x8d: {  	[sflag:s19] =	ssyncset.done $0x0  }
0x8e: {  	s30 =	simm.s32 $0x0;
	[sflag:s19] =	ssyncadd.s32 $0xFFFFF380  }
0x8f: {  	v5 =	vld [tilespmem:s30+$0x70]  }
0x90: {  	v6 =	vld [tilespmem:s30+$0x0]  }
0x91: {  	v7 =	vld [tilespmem:s30+$0x10]  }
0x92: {  	v4 =	vld [tilespmem:s30+$0x20]  }
0x93: {  	v2 =	vld [tilespmem:s30+$0x30]  }
0x94: {  	v3 =	vld [tilespmem:s30+$0x40];
	[tilespmem:s30+$0xCF0] =	vst v5  }
0x95: {  	[tilespmem:s30+$0xC80] =	vst v6;
	v5 =	vld [tilespmem:s30+$0x50]  }
0x96: {  	s31 =	simm.s32 $0x80;
	s0 =	simm.s32 $0x400;
	[tilespmem:s30+$0xC90] =	vst v7;
	v6 =	vld [tilespmem:s30+$0x60]  }
.LBB2_9:
0x97: {  	p1 =	sne.s32 s0, $0x3000;
	v7 =	vld [tilespmem:s31+$0x70];
	[tilespmem:s30+$0xCA0] =	vst v4  }
0x98: {  	v8 =	vld [tilespmem:s31+$0x0];
	[tilespmem:s30+$0xCB0] =	vst v2  }
0x99: {  	v9 =	vld [tilespmem:s31+$0x10];
	[tilespmem:s30+$0xCC0] =	vst v3  }
.Ltmp3:
0x9a: {  	v4 =	vld [tilespmem:s31+$0x20];
	[tilespmem:s30+$0xCD0] =	vst v5;
	(pc) =	sbr.rel @p1 .LBB2_9-.Ltmp3, $4  }
0x9b: {  	v2 =	vld [tilespmem:s31+$0x30];
	[tilespmem:s30+$0xCE0] =	vst v6;
	s30 =	smov.u32 s31  }
0x9c: {  	v3 =	vld [tilespmem:s30+$0x40];
	[tilespmem:s30+$0xCF0] =	vst v7  }
0x9d: {  	[tilespmem:s30+$0xC80] =	vst v8;
	v5 =	vld [tilespmem:s30+$0x50]  }
0x9e: {  	s31 =	sshra.s32 s0, $0x2;
	s0 =	sadd.s32 $0x200, s0;
	[tilespmem:s30+$0xC90] =	vst v9;
	v6 =	vld [tilespmem:s30+$0x60]  }
0x9f: {  	v7 =	vld [tilespmem:s31+$0x70];
	[tilespmem:s30+$0xCA0] =	vst v4  }
0xa0: {  	v4 =	vld [tilespmem:s31+$0x0];
	[tilespmem:s30+$0xCB0] =	vst v2  }
0xa1: {  	v2 =	vld [tilespmem:s31+$0x10];
	[tilespmem:s30+$0xCC0] =	vst v3  }
0xa2: {  	v3 =	vld [tilespmem:s31+$0x20];
	[tilespmem:s30+$0xCD0] =	vst v5  }
0xa3: {  	v5 =	vld [tilespmem:s31+$0x30];
	[tilespmem:s30+$0xCE0] =	vst v6  }
0xa4: {  	v6 =	vld [tilespmem:s31+$0x40];
	[tilespmem:s31+$0xCF0] =	vst v7  }
0xa5: {  	[tilespmem:s31+$0xC80] =	vst v4;
	v4 =	vld [tilespmem:s31+$0x50]  }
0xa6: {  	[tilespmem:s31+$0xC90] =	vst v2;
	v2 =	vld [tilespmem:s31+$0x60]  }
0xa7: {  	[tilespmem:s31+$0xCA0] =	vst v3  }
0xa8: {  	[tilespmem:s31+$0xCB0] =	vst v5  }
0xa9: {  	[tilespmem:s31+$0xCC0] =	vst v6  }
0xaa: {  	s0 =	sadd.s32 s29, s9;
	[tilespmem:s31+$0xCD0] =	vst v4  }
0xab: {  	s0 =	sshrl.u32 s0, $0x3;
	[tilespmem:s31+$0xCE0] =	vst v2  }
0xac: {  	[tilespmem:s18], [sflag:$0x1] =	stream.indirect.gather [spmem:s1], $0x1, s17, s17, $0xb8;
	[tilespmem:$0x134B8] =	vst v63  }
0xad: {  	s29 =	simm.s32 $0x0;
	s0 =	sadd.s32 s3, s0  }
0xae: {  	[tilespmem:s29], [sflag:$0x3] =	stream.strided.gather [hbm4b:s0+s15], $0xC80, s16, s15, $0x38;
	[tilespmem:$0x134B8] =	vst v63  }
0xaf: {  	_ =	swait.ge [sflag:s23], $0xC80  }
0xb0: {  	[sflag:s23] =	ssyncset.done $0x0  }
0xb1: {  	s29 =	simm.s32 $0x0;
	[sflag:s23] =	ssyncadd.s32 $0xFFFFF380  }
0xb2: {  	v3 =	vld [tilespmem:s29+$0x3240]  }
0xb3: {  	v2 =	vld [tilespmem:s29+$0x3250]  }
0xb4: {  	v4 =	vld [tilespmem:s29+$0x3200]  }
0xb5: {  	v8 =	vimm.f32 $0.0e+00;
	v5 =	vld [tilespmem:s29+$0x3210]  }
0xb6: {  	v9 =	vimm.f32 $0.0e+00;
	v10 =	vimm.f32 $0.0e+00;
	s30 =	simm.s32 $0x200;
	v7 =	vimm.f32 $0.0e+00;
	v6 =	vld [tilespmem:s29+$0x3220]  }
.LBB2_11:
0xb7: {  	p1 =	sne.s32 s30, $0x3000;
	v11 =	vld [tilespmem:s29+$0x3230];
	v12 =	vmov v3  }
0xb8: {  	v13 =	vld [tilespmem:s29+$0x3260];
	v14 =	vmov v2  }
0xb9: {  	v15 =	vld [tilespmem:s29+$0x3270];
	s29 =	sshra.s32 s30, $0x2  }
.Ltmp4:
0xba: {  	v3 =	vld [tilespmem:s29+$0x3240];
	(pc) =	sbr.rel @p1 .LBB2_11-.Ltmp4, $4  }
0xbb: {  	v7 =	vadd.f32 v4, v7;
	v8 =	vadd.f32 v5, v8;
	v2 =	vld [tilespmem:s29+$0x3250]  }
0xbc: {  	v9 =	vadd.f32 v6, v9;
	v4 =	vld [tilespmem:s29+$0x3200];
	v10 =	vadd.f32 v11, v10  }
0xbd: {  	v7 =	vadd.f32 v12, v7;
	v8 =	vadd.f32 v14, v8;
	v5 =	vld [tilespmem:s29+$0x3210]  }
0xbe: {  	s30 =	sadd.s32 $0x200, s30;
	v9 =	vadd.f32 v13, v9;
	v6 =	vld [tilespmem:s29+$0x3220];
	v10 =	vadd.f32 v15, v10  }
0xbf: {  	v11 =	vld [tilespmem:s29+$0x3230]  }
0xc0: {  	v12 =	vld [tilespmem:s29+$0x3260]  }
0xc1: {  	v13 =	vld [tilespmem:s29+$0x3270];
	_ =	sdelay $0x1  }
0xc2: {  	v4 =	vadd.f32 v4, v7;
	v5 =	vadd.f32 v5, v8  }
0xc3: {  	v6 =	vadd.f32 v6, v9;
	v61 =	vadd.f32 v11, v10  }
0xc4: {  	v3 =	vadd.f32 v3, v4;
	v2 =	vadd.f32 v2, v5  }
0xc5: {  	v62 =	vadd.f32 v12, v6;
	v63 =	vadd.f32 v13, v61;
	_ =	sdelay $0x1  }
0xc6: {  	v2 =	vadd.f32 v2, v3;
	v3 =	vadd.f32 v63, v62;
	_ =	sdelay $0x1  }
0xc7: {  	v2 =	vadd.f32 v3, v2;
	_ =	sdelay $0x1  }
0xc8: {  	v2 =	vmul.f32 $4.999999890e-03, v2;
	_ =	sdelay $0x1  }
0xc9: {  	v2 =	vadd.f32 v2, v1;
	_ =	sdelay $0x1  }
0xca: {  	v2 =	vsub.f32 $0.0e+00, v2;
	_ =	sdelay $0x1  }
0xcb: {  	v2 =	vmul.f32 $1.442695020e+00, v2;
	_ =	sdelay $0x1  }
0xcc: {  	(erf) = vpow2.f32 v2;
	_ =	sdelay $0x8  }
0xcd: {  	v2 =	vpop (erf)  }
0xce: {  	v2 =	vadd.f32 $1.000000000e+00, v2;
	_ =	sdelay $0x1  }
0xcf: {  	(erf) = vrcp.f32 v2;
	_ =	sdelay $0x8  }
0xd0: {  	v2 =	vpop (erf)  }
0xd1: {  	v2 =	vmul.f32 $1.000000000e+04, v2;
	_ =	sdelay $0x1  }
0xd2: {  	s26 =	sadd.s32 $0x1, s26;
	v2 =	vadd.f32 $1.258291200e+07, v2  }
0xd3: {  	p1 =	sne.s32 s26, $0xF  }
.Ltmp5:
0xd4: {  	v2 =	vadd.f32 $-1.258291200e+07, v2;
	(pc) =	sbr.rel @p1 .LBB2_4-.Ltmp5, $3  }
0xd5: {  	_ = 	snop  }
0xd6: {  	v2 =	vmul.f32 v2, v0;
	_ =	sdelay $0x1  }
0xd7: {  	[tilespmem:s28+$0x3EA0] =	vst v2  }
0xd8: {  	_ =	swait.ge [sflag:s19], $0xC80  }
0xd9: {  	[sflag:s19] =	ssyncset.done $0x0  }
0xda: {  	s26 =	simm.s32 $0x0;
	[sflag:s19] =	ssyncadd.s32 $0xFFFFF380  }
0xdb: {  	v5 =	vld [tilespmem:s26+$0x70]  }
0xdc: {  	v6 =	vld [tilespmem:s26+$0x0]  }
0xdd: {  	v7 =	vld [tilespmem:s26+$0x10]  }
0xde: {  	v4 =	vld [tilespmem:s26+$0x20]  }
0xdf: {  	v2 =	vld [tilespmem:s26+$0x30]  }
0xe0: {  	v3 =	vld [tilespmem:s26+$0x40];
	[tilespmem:s26+$0x1970] =	vst v5  }
0xe1: {  	[tilespmem:s26+$0x1900] =	vst v6;
	v5 =	vld [tilespmem:s26+$0x50]  }
0xe2: {  	s28 =	simm.s32 $0x80;
	s0 =	simm.s32 $0x400;
	[tilespmem:s26+$0x1910] =	vst v7;
	v6 =	vld [tilespmem:s26+$0x60]  }
.LBB2_14:
0xe3: {  	p1 =	sne.s32 s0, $0x3000;
	v7 =	vld [tilespmem:s28+$0x70];
	[tilespmem:s26+$0x1920] =	vst v4  }
0xe4: {  	v8 =	vld [tilespmem:s28+$0x0];
	[tilespmem:s26+$0x1930] =	vst v2  }
0xe5: {  	v9 =	vld [tilespmem:s28+$0x10];
	[tilespmem:s26+$0x1940] =	vst v3  }
.Ltmp6:
0xe6: {  	v4 =	vld [tilespmem:s28+$0x20];
	[tilespmem:s26+$0x1950] =	vst v5;
	(pc) =	sbr.rel @p1 .LBB2_14-.Ltmp6, $4  }
0xe7: {  	v2 =	vld [tilespmem:s28+$0x30];
	[tilespmem:s26+$0x1960] =	vst v6;
	s26 =	smov.u32 s28  }
0xe8: {  	v3 =	vld [tilespmem:s26+$0x40];
	[tilespmem:s26+$0x1970] =	vst v7  }
0xe9: {  	[tilespmem:s26+$0x1900] =	vst v8;
	v5 =	vld [tilespmem:s26+$0x50]  }
0xea: {  	s28 =	sshra.s32 s0, $0x2;
	s0 =	sadd.s32 $0x200, s0;
	[tilespmem:s26+$0x1910] =	vst v9;
	v6 =	vld [tilespmem:s26+$0x60]  }
0xeb: {  	v7 =	vld [tilespmem:s28+$0x70];
	[tilespmem:s26+$0x1920] =	vst v4  }
0xec: {  	v4 =	vld [tilespmem:s28+$0x0];
	[tilespmem:s26+$0x1930] =	vst v2  }
0xed: {  	v2 =	vld [tilespmem:s28+$0x10];
	[tilespmem:s26+$0x1940] =	vst v3  }
0xee: {  	v3 =	vld [tilespmem:s28+$0x20];
	[tilespmem:s26+$0x1950] =	vst v5  }
0xef: {  	v5 =	vld [tilespmem:s28+$0x30];
	[tilespmem:s26+$0x1960] =	vst v6  }
0xf0: {  	v6 =	vld [tilespmem:s28+$0x40];
	[tilespmem:s28+$0x1970] =	vst v7  }
0xf1: {  	[tilespmem:s28+$0x1900] =	vst v4;
	v4 =	vld [tilespmem:s28+$0x50]  }
0xf2: {  	[tilespmem:s28+$0x1910] =	vst v2;
	v2 =	vld [tilespmem:s28+$0x60]  }
0xf3: {  	[tilespmem:s28+$0x1920] =	vst v3  }
0xf4: {  	[tilespmem:s28+$0x1930] =	vst v5  }
0xf5: {  	[tilespmem:s28+$0x1940] =	vst v6  }
0xf6: {  	[tilespmem:s28+$0x1950] =	vst v4  }
0xf7: {  	[tilespmem:s28+$0x1960] =	vst v2  }
0xf8: {  	[tilespmem:s21], [sflag:$0x2] =	stream.indirect.gather [spmem:s1], $0x1, s20, s17, $0xb8;
	[tilespmem:$0x134B8] =	vst v63  }
0xf9: {  	_ =	swait.ge [sflag:s22], $0xC80  }
0xfa: {  	[sflag:s22] =	ssyncset.done $0x0  }
0xfb: {  	s26 =	simm.s32 $0x0;
	[sflag:s22] =	ssyncadd.s32 $0xFFFFF380  }
0xfc: {  	v3 =	vld [tilespmem:s26+$0x25C0]  }
0xfd: {  	v2 =	vld [tilespmem:s26+$0x25D0]  }
0xfe: {  	v4 =	vld [tilespmem:s26+$0x2580]  }
0xff: {  	v8 =	vimm.f32 $0.0e+00;
	v5 =	vld [tilespmem:s26+$0x2590]  }
0x100: {  	v9 =	vimm.f32 $0.0e+00;
	v10 =	vimm.f32 $0.0e+00;
	v7 =	vimm.f32 $0.0e+00;
	s28 =	simm.s32 $0x200;
	v6 =	vld [tilespmem:s26+$0x25A0]  }
.LBB2_16:
0x101: {  	p1 =	sne.s32 s28, $0x3000;
	v11 =	vld [tilespmem:s26+$0x25B0];
	v12 =	vmov v3  }
0x102: {  	v13 =	vld [tilespmem:s26+$0x25E0];
	v14 =	vmov v2  }
0x103: {  	v15 =	vld [tilespmem:s26+$0x25F0];
	s26 =	sshra.s32 s28, $0x2  }
.Ltmp7:
0x104: {  	v3 =	vld [tilespmem:s26+$0x25C0];
	(pc) =	sbr.rel @p1 .LBB2_16-.Ltmp7, $4  }
0x105: {  	v7 =	vadd.f32 v4, v7;
	v8 =	vadd.f32 v5, v8;
	v2 =	vld [tilespmem:s26+$0x25D0]  }
0x106: {  	v9 =	vadd.f32 v6, v9;
	v4 =	vld [tilespmem:s26+$0x2580];
	v10 =	vadd.f32 v11, v10  }
0x107: {  	v7 =	vadd.f32 v12, v7;
	v8 =	vadd.f32 v14, v8;
	v5 =	vld [tilespmem:s26+$0x2590]  }
0x108: {  	s28 =	sadd.s32 $0x200, s28;
	v9 =	vadd.f32 v13, v9;
	v6 =	vld [tilespmem:s26+$0x25A0];
	v10 =	vadd.f32 v15, v10  }
0x109: {  	v11 =	vld [tilespmem:s26+$0x25B0]  }
0x10a: {  	v12 =	vld [tilespmem:s26+$0x25E0]  }
0x10b: {  	v13 =	vld [tilespmem:s26+$0x25F0];
	_ =	sdelay $0x1  }
0x10c: {  	v4 =	vadd.f32 v4, v7;
	v5 =	vadd.f32 v5, v8  }
0x10d: {  	v6 =	vadd.f32 v6, v9;
	v7 =	vadd.f32 v11, v10  }
0x10e: {  	v3 =	vadd.f32 v3, v4;
	v2 =	vadd.f32 v2, v5  }
0x10f: {  	v4 =	vadd.f32 v12, v6;
	v5 =	vadd.f32 v13, v7;
	_ =	sdelay $0x1  }
0x110: {  	v2 =	vadd.f32 v2, v3;
	v3 =	vadd.f32 v5, v4;
	_ =	sdelay $0x1  }
0x111: {  	v2 =	vadd.f32 v3, v2;
	_ =	sdelay $0x1  }
0x112: {  	v2 =	vmul.f32 $4.999999890e-03, v2;
	_ =	sdelay $0x1  }
0x113: {  	v2 =	vadd.f32 v2, v1;
	_ =	sdelay $0x1  }
0x114: {  	v2 =	vsub.f32 $0.0e+00, v2;
	_ =	sdelay $0x1  }
0x115: {  	v2 =	vmul.f32 $1.442695020e+00, v2;
	_ =	sdelay $0x1  }
0x116: {  	(erf) = vpow2.f32 v2;
	_ =	sdelay $0x8  }
0x117: {  	v2 =	vpop (erf)  }
0x118: {  	v2 =	vadd.f32 $1.000000000e+00, v2;
	_ =	sdelay $0x1  }
0x119: {  	(erf) = vrcp.f32 v2;
	_ =	sdelay $0x8  }
0x11a: {  	v2 =	vpop (erf)  }
0x11b: {  	v2 =	vmul.f32 $1.000000000e+04, v2;
	_ =	sdelay $0x1  }
0x11c: {  	v2 =	vadd.f32 $1.258291200e+07, v2;
	_ =	sdelay $0x1  }
0x11d: {  	v2 =	vadd.f32 $-1.258291200e+07, v2;
	_ =	sdelay $0x1  }
0x11e: {  	v2 =	vmul.f32 v2, v0;
	_ =	sdelay $0x1  }
0x11f: {  	[tilespmem:$0x4070] =	vst v2  }
0x120: {  	_ =	swait.ge [sflag:s23], $0xC80  }
0x121: {  	[sflag:s23] =	ssyncset.done $0x0  }
0x122: {  	s26 =	simm.s32 $0x0;
	[sflag:s23] =	ssyncadd.s32 $0xFFFFF380  }
0x123: {  	v3 =	vld [tilespmem:s26+$0x3240]  }
0x124: {  	v2 =	vld [tilespmem:s26+$0x3250]  }
0x125: {  	v4 =	vld [tilespmem:s26+$0x3200]  }
0x126: {  	v8 =	vimm.f32 $0.0e+00;
	v5 =	vld [tilespmem:s26+$0x3210]  }
0x127: {  	s28 =	simm.s32 $0x200;
	v9 =	vimm.f32 $0.0e+00;
	v10 =	vimm.f32 $0.0e+00;
	v7 =	vimm.f32 $0.0e+00;
	v6 =	vld [tilespmem:s26+$0x3220]  }
.LBB2_18:
0x128: {  	p1 =	sne.s32 s28, $0x3000;
	v11 =	vld [tilespmem:s26+$0x3230];
	v12 =	vmov v3  }
0x129: {  	v13 =	vld [tilespmem:s26+$0x3260];
	v14 =	vmov v2  }
0x12a: {  	v15 =	vld [tilespmem:s26+$0x3270];
	s26 =	sshra.s32 s28, $0x2  }
.Ltmp8:
0x12b: {  	v3 =	vld [tilespmem:s26+$0x3240];
	(pc) =	sbr.rel @p1 .LBB2_18-.Ltmp8, $4  }
0x12c: {  	v7 =	vadd.f32 v4, v7;
	v8 =	vadd.f32 v5, v8;
	v2 =	vld [tilespmem:s26+$0x3250]  }
0x12d: {  	v9 =	vadd.f32 v6, v9;
	v4 =	vld [tilespmem:s26+$0x3200];
	v10 =	vadd.f32 v11, v10  }
0x12e: {  	v7 =	vadd.f32 v12, v7;
	v8 =	vadd.f32 v14, v8;
	v5 =	vld [tilespmem:s26+$0x3210]  }
0x12f: {  	s28 =	sadd.s32 $0x200, s28;
	v9 =	vadd.f32 v13, v9;
	v6 =	vld [tilespmem:s26+$0x3220];
	v10 =	vadd.f32 v15, v10  }
0x130: {  	v11 =	vld [tilespmem:s26+$0x3230]  }
0x131: {  	v12 =	vld [tilespmem:s26+$0x3260]  }
0x132: {  	v13 =	vld [tilespmem:s26+$0x3270];
	_ =	sdelay $0x1  }
0x133: {  	v4 =	vadd.f32 v4, v7;
	v5 =	vadd.f32 v5, v8  }
0x134: {  	v6 =	vadd.f32 v6, v9;
	v61 =	vadd.f32 v11, v10  }
0x135: {  	v3 =	vadd.f32 v3, v4;
	v2 =	vadd.f32 v2, v5  }
0x136: {  	v62 =	vadd.f32 v12, v6;
	v63 =	vadd.f32 v13, v61;
	_ =	sdelay $0x1  }
0x137: {  	v2 =	vadd.f32 v2, v3;
	v3 =	vadd.f32 v63, v62;
	_ =	sdelay $0x1  }
0x138: {  	v2 =	vadd.f32 v3, v2;
	_ =	sdelay $0x1  }
0x139: {  	v2 =	vmul.f32 $4.999999890e-03, v2;
	_ =	sdelay $0x1  }
0x13a: {  	v1 =	vadd.f32 v2, v1;
	_ =	sdelay $0x1  }
0x13b: {  	v1 =	vsub.f32 $0.0e+00, v1;
	_ =	sdelay $0x1  }
0x13c: {  	v1 =	vmul.f32 $1.442695020e+00, v1;
	_ =	sdelay $0x1  }
0x13d: {  	(erf) = vpow2.f32 v1;
	_ =	sdelay $0x8  }
0x13e: {  	v1 =	vpop (erf)  }
0x13f: {  	v1 =	vadd.f32 $1.000000000e+00, v1;
	_ =	sdelay $0x1  }
0x140: {  	(erf) = vrcp.f32 v1;
	_ =	sdelay $0x8  }
0x141: {  	v1 =	vpop (erf)  }
0x142: {  	v1 =	vmul.f32 $1.000000000e+04, v1;
	_ =	sdelay $0x1  }
0x143: {  	v1 =	vadd.f32 $1.258291200e+07, v1;
	_ =	sdelay $0x1  }
0x144: {  	v1 =	vadd.f32 $-1.258291200e+07, v1;
	_ =	sdelay $0x1  }
0x145: {  	s25 =	sadd.s32 $0x1, s25;
	v1 =	vmul.f32 v1, v0  }
0x146: {  	p1 =	sne.s32 s25, s11  }
.Ltmp9:
0x147: {  	[tilespmem:$0x4080] =	vst v1;
	(pc) =	sbr.rel @p1 .LBB2_1-.Ltmp9, $4  }
0x148: {  	[hbm4b:s10+s2] =	stream.linear.scatter [tilespmem:s24], [sflag:$0x4], $0x200, $0x38;
	[tilespmem:$0x134B8] =	vst v63  }
0x149: {  	_ =	swait.ge [sflag:s14], $0x200  }
0x14a: {  	[sflag:s14] =	ssyncset.done $0x0  }
0x14b: {  	[sflag:s14] =	ssyncadd.s32 $0xFFFFFE00  }
0x14c: {  	_ =	sfence.sel $0x180000  }
0x14d: {  	[bflag:$0x0] =	sbarrier.arrive $0xFFFF  }
0x14e: {  	_ =	strace $0x90000047  }
0x14f: {  	[bflag:$0x2] =	sbarrier.arrive $0xFFFF  }
0x150: {  	s0 =	rddreg [dreg:$0x3]  }
0x151: {  	s0 =	sadd.s32 @!p0 $0x100000, s0  }
0x152: {  	[sflag:s0] =	ssyncadd.tile.s32 @!p0 $0x1;
	_ =	shalt  }
.Lfunc_end2:
_tile_overlayer_lowered:
.L_overlay_start_2:
0x153: {  	(tag) =	ssettag $0x2  }
0x154: {  	s0 =	rddreg [dreg:$0x0];
	s2 =	stileid.u32  }
0x155: {  	s1 =	rddreg [dreg:$0x1];
	p0 =	sne.s32 s2, $0x0  }
0x156: {  	s3 =	rddreg [dreg:$0x2];
	[bflag:$0x3] =	sbarrier.arrive $0xFFFF;
	s2 =	simm.s32 @!p0 $0x1C04  }
0x157: {  	[timem:s3], [sflag:s2] =	dma.local @!p0 [hbm:s0], s1  }
0x158: {  	s0 =	simm.s32 @!p0 $0x4  }
0x159: {  	_ =	swait.ge @!p0 [sflag:s0], s1  }
0x15a: {  	s1 =	ssub.s32 @!p0 $0x0, s1;
	[sflag:s0] =	ssyncset.done @!p0 $0x0  }
0x15b: {  	[sflag:s0] =	ssyncadd.s32 @!p0 s1  }
0x15c: {  	[bflag:$0x3] =	sbarrier.arrive $0xFFFF  }
0x15d: {  	_ =	shalt  }

</sc_bundles>
